<compile_context>
chip_gen: v7x
topology: tpu7x:2x2x1
jax: 0.10.2.dev20260603
libtpu: 0.0.44.dev20260713+nightly
codegen_flags: <defaults>
</compile_context>

<pallas_src>
import jax
import jax.numpy as jnp
from jax import lax
from jax.experimental import pallas as pl
from jax.experimental.pallas import tpu as pltpu
from jax.experimental.pallas import tpu_sc as plsc

N = 10000
E = 320000
D = 128
NC = 2
NS = 16
NW = NC * NS
CHUNK = 128
NCHT = 2560
EP = NCHT * CHUNK
CW = NCHT // NW
NPAD = N + 16
RPS = 624
RPS_LAST = N - 15 * RPS

_mesh = plsc.VectorSubcoreMesh(
    core_axis_name="c", subcore_axis_name="s", num_cores=NC, num_subcores=NS
)


def _sc_segsum_wide(x_hbm, src_hbm, dst_hbm, out_hbm, acc,
                    sidx0, sidx1, sidx2, didx0, didx1, didx2, didx3,
                    rows0, rows1, rows2,
                    isem0, isem1, isem2, jsem0, jsem1, jsem2, jsem3,
                    gsem0, ssem0, ssem1, ssem2, ssem3):
    c = lax.axis_index("c")
    s = lax.axis_index("s")
    wid = s * NC + c
    e0 = wid * CW * CHUNK

    sidx = (sidx0, sidx1, sidx2)
    didx = (didx0, didx1, didx2, didx3)
    rows = (rows0, rows1, rows2)
    isem = (isem0, isem1, isem2)
    jsem = (jsem0, jsem1, jsem2, jsem3)
    ssem = (ssem0, ssem1, ssem2, ssem3)

    zero16 = jnp.zeros((16,), jnp.float32)

    def _zrow(i, carry):
        for k in range(D // 16):
            rows0[i, pl.ds(k * 16, 16)] = zero16
        return carry

    lax.fori_loop(0, CHUNK, _zrow, 0)
    r0 = s * RPS

    @pl.when(s < NS - 1)
    def _():
        off = 0
        for m in (128, 128, 128, 128, RPS - 4 * 128):
            pltpu.sync_copy(rows0.at[pl.ds(0, m)],
                            acc.at[pl.ds(r0 + off, m)])
            off += m

    @pl.when(s == NS - 1)
    def _():
        for k in range(5):
            pltpu.sync_copy(rows0, acc.at[pl.ds(15 * RPS + k * CHUNK, CHUNK)])
        pltpu.sync_copy(rows0.at[pl.ds(0, NPAD - N)],
                        acc.at[pl.ds(N, NPAD - N)])

    plsc.subcore_barrier()

    def idx_issue(g, b3, b4):
        pltpu.async_copy(src_hbm.at[pl.ds(e0 + g * CHUNK, CHUNK)],
                         sidx[b3], isem[b3])
        pltpu.async_copy(dst_hbm.at[pl.ds(e0 + g * CHUNK, CHUNK)],
                         didx[b4], jsem[b4])

    def idx_wait(b3, b4):
        pltpu.make_async_copy(src_hbm.at[pl.ds(e0, CHUNK)], sidx[b3],
                              isem[b3]).wait()
        pltpu.make_async_copy(dst_hbm.at[pl.ds(e0, CHUNK)], didx[b4],
                              jsem[b4]).wait()

    def gather_sync(b3):
        pltpu.async_copy(x_hbm.at[sidx[b3]], rows[b3], gsem0).wait()

    def scatter_issue(b3, b4):
        pltpu.async_copy(rows[b3], acc.at[didx[b4]], ssem[b4], add=True)

    def scatter_wait(b3, b4):
        pltpu.make_async_copy(rows[b3], acc.at[didx[b4]], ssem[b4]).wait()

    def _chunk(g, carry):
        pltpu.sync_copy(src_hbm.at[pl.ds(e0 + g * CHUNK, CHUNK)], sidx0)
        pltpu.async_copy(x_hbm.at[sidx0], rows0, gsem0).wait()
        pltpu.sync_copy(dst_hbm.at[pl.ds(e0 + g * CHUNK, CHUNK)], didx0)
        pltpu.sync_copy(rows0, acc.at[didx0], add=True)
        return carry

    lax.fori_loop(0, CW, _chunk, 0)

    plsc.subcore_barrier()

    @pl.when(s < NS - 1)
    def _():
        pltpu.sync_copy(acc.at[pl.ds(r0, RPS)], out_hbm.at[c, pl.ds(r0, RPS)])

    @pl.when(s == NS - 1)
    def _():
        pltpu.sync_copy(acc.at[pl.ds(15 * RPS, RPS_LAST)],
                        out_hbm.at[c, pl.ds(15 * RPS, RPS_LAST)])


_sc1 = pl.kernel(
    _sc_segsum_wide,
    out_type=jax.ShapeDtypeStruct((NC, N, D), jnp.float32),
    mesh=_mesh,
    scratch_types=[
        pltpu.VMEM_SHARED((NPAD, D), jnp.float32),
        pltpu.VMEM((CHUNK,), jnp.int32),
        pltpu.VMEM((CHUNK,), jnp.int32),
        pltpu.VMEM((CHUNK,), jnp.int32),
        pltpu.VMEM((CHUNK,), jnp.int32),
        pltpu.VMEM((CHUNK,), jnp.int32),
        pltpu.VMEM((CHUNK,), jnp.int32),
        pltpu.VMEM((CHUNK,), jnp.int32),
        pltpu.VMEM((CHUNK, D), jnp.float32),
        pltpu.VMEM((CHUNK, D), jnp.float32),
        pltpu.VMEM((CHUNK, D), jnp.float32),
    ] + [pltpu.SemaphoreType.DMA] * 12,
)


def _sc_segsum_scalar(y_hbm, src_hbm, dst_hbm, out_hbm, acc, sidx, didx,
                      yv0, yv1, yv2, yv3, zbuf,
                      gsem0, gsem1, gsem2, gsem3,
                      ssem0, ssem1, ssem2, ssem3):
    c = lax.axis_index("c")
    s = lax.axis_index("s")
    wid = s * NC + c

    zero16 = jnp.zeros((16,), jnp.float32)

    def _z(i, carry):
        zbuf[pl.ds(i * 16, 16)] = zero16
        return carry

    lax.fori_loop(0, RPS_LAST // 16, _z, 0)

    @pl.when(s < NS - 1)
    def _():
        pltpu.sync_copy(zbuf.at[pl.ds(0, RPS)], acc.at[pl.ds(s * RPS, RPS)])

    @pl.when(s == NS - 1)
    def _():
        pltpu.sync_copy(zbuf, acc.at[pl.ds(15 * RPS, RPS_LAST)])
        pltpu.sync_copy(zbuf.at[pl.ds(0, NPAD - N)], acc.at[pl.ds(N, NPAD - N)])

    pltpu.sync_copy(src_hbm.at[pl.ds(wid * CW, CW)], sidx)
    pltpu.sync_copy(dst_hbm.at[pl.ds(wid * CW, CW)], didx)
    plsc.subcore_barrier()

    NB = 2
    B = 4
    yvs = (yv0, yv1, yv2, yv3)
    gsems = (gsem0, gsem1, gsem2, gsem3)
    ssems = (ssem0, ssem1, ssem2, ssem3)
    gd = [None] * B
    sd = [None] * B
    for g in range(NB):
        gd[g] = pltpu.async_copy(y_hbm.at[sidx.at[g]], yvs[g], gsems[g])
    for g in range(CW):
        b = g % B
        gd[b].wait()
        sd[b] = pltpu.async_copy(yvs[b], acc.at[didx.at[g]], ssems[b],
                                 add=True)
        n = g + NB
        if n < CW:
            bn = n % B
            if sd[bn] is not None:
                sd[bn].wait()
            gd[bn] = pltpu.async_copy(y_hbm.at[sidx.at[n]], yvs[bn],
                                      gsems[bn])
    for b in range(B):
        if sd[b] is not None:
            sd[b].wait()
            sd[b] = None

    plsc.subcore_barrier()

    @pl.when(s < NS - 1)
    def _():
        pltpu.sync_copy(acc.at[pl.ds(s * RPS, RPS)], zbuf.at[pl.ds(0, RPS)])
        pltpu.sync_copy(zbuf.at[pl.ds(0, RPS)],
                        out_hbm.at[pl.ds(c * N + s * RPS, RPS)])

    @pl.when(s == NS - 1)
    def _():
        pltpu.sync_copy(acc.at[pl.ds(15 * RPS, RPS_LAST)], zbuf)
        pltpu.sync_copy(zbuf,
                        out_hbm.at[pl.ds(c * N + 15 * RPS, RPS_LAST)])


_sc2 = pl.kernel(
    _sc_segsum_scalar,
    out_type=jax.ShapeDtypeStruct((NC * N,), jnp.float32),
    mesh=_mesh,
    scratch_types=[
        pltpu.VMEM_SHARED((NPAD,), jnp.float32),
        pltpu.VMEM((CW, CHUNK), jnp.int32),
        pltpu.VMEM((CW, CHUNK), jnp.int32),
        pltpu.VMEM((CHUNK,), jnp.float32),
        pltpu.VMEM((CHUNK,), jnp.float32),
        pltpu.VMEM((CHUNK,), jnp.float32),
        pltpu.VMEM((CHUNK,), jnp.float32),
        pltpu.VMEM((RPS_LAST,), jnp.float32),
    ] + [pltpu.SemaphoreType.DMA] * 8,
)

_BM = 1000


def _tc_dense_body(p0, p1, x, w1rel, w1root, b1, h_out):
    agg = p0[...] + p1[...]
    h = jnp.dot(agg, w1rel[...], preferred_element_type=jnp.float32)
    h = h + jnp.dot(x[...], w1root[...], preferred_element_type=jnp.float32)
    h_out[...] = jnp.maximum(h + b1[...], 0.0)


def _tc_out_body(q0, q1, h, w2rel, w2root, b2, o):
    agg2 = q0[...] + q1[...]
    z = jnp.dot(agg2, w2rel[...], preferred_element_type=jnp.float32)
    z = z + jnp.dot(h[...], w2root[...], preferred_element_type=jnp.float32)
    o[...] = jax.nn.sigmoid(z + b2[...])


def kernel(x, edge_index, W1_rel, W1_root, b1, W2_rel, W2_root, b2):
    pad = EP - E
    src = jnp.concatenate([edge_index[0], jnp.zeros((pad,), jnp.int32)])
    dst = jnp.concatenate([edge_index[1], jnp.full((pad,), N, jnp.int32)])

    parts = _sc1(x, src, dst)

    full = pl.BlockSpec((D, D), lambda i: (0, 0))
    row1 = pl.BlockSpec((1, D), lambda i: (0, 0))
    blk = pl.BlockSpec((_BM, D), lambda i: (i, 0))
    col = pl.BlockSpec((_BM, 1), lambda i: (i, 0))
    colw = pl.BlockSpec((D, 1), lambda i: (0, 0))
    h = pl.pallas_call(
        _tc_dense_body,
        grid=(N // _BM,),
        in_specs=[blk, blk, blk, full, full, row1],
        out_specs=blk,
        out_shape=jax.ShapeDtypeStruct((N, D), jnp.float32),
    )(parts[0], parts[1], x, W1_rel, W1_root, b1.reshape(1, D))

    parts2 = _sc1(h, src, dst)

    out = pl.pallas_call(
        _tc_out_body,
        grid=(N // _BM,),
        in_specs=[blk, blk, blk, colw, colw, pl.BlockSpec((1, 1), lambda i: (0, 0))],
        out_specs=col,
        out_shape=jax.ShapeDtypeStruct((N, 1), jnp.float32),
    )(parts2[0], parts2[1], h, W2_rel, W2_root, b2.reshape(1, 1))
    return out

# --- scband reference (transcript-rebuilt; emitter-appended) ---
"""Pipeline reference for scband-simple-net-83837761618434 (READ-ONLY COPY).

The authoritative reference and input builder live on the scoring server;
editing this copy changes nothing except your own understanding.
"""

import jax, jax.numpy as jnp
import numpy as np

N = 10000
E = 320000
D_IN = 128
D_HID = 128


def setup_inputs(seed: int = 0) -> dict:
    key = jax.random.key(seed)
    ks = jax.random.split(key, 9)
    x = jax.random.normal(ks[0], (N, D_IN), dtype=jnp.float32)
    edge_index = jax.random.randint(ks[1], (2, E), 0, N, dtype=jnp.int32)
    s1 = 1.0 / np.sqrt(D_IN)
    s2 = 1.0 / np.sqrt(D_HID)
    W1_rel = jax.random.uniform(ks[2], (D_IN, D_HID), dtype=jnp.float32, minval=-s1, maxval=s1)
    W1_root = jax.random.uniform(ks[3], (D_IN, D_HID), dtype=jnp.float32, minval=-s1, maxval=s1)
    b1 = jax.random.uniform(ks[4], (D_HID,), dtype=jnp.float32, minval=-s1, maxval=s1)
    W2_rel = jax.random.uniform(ks[5], (D_HID, 1), dtype=jnp.float32, minval=-s2, maxval=s2)
    W2_root = jax.random.uniform(ks[6], (D_HID, 1), dtype=jnp.float32, minval=-s2, maxval=s2)
    b2 = jax.random.uniform(ks[7], (1,), dtype=jnp.float32, minval=-s2, maxval=s2)
    return {"x": x, "edge_index": edge_index, "W1_rel": W1_rel, "W1_root": W1_root, "b1": b1, "W2_rel": W2_rel, "W2_root": W2_root, "b2": b2}


def reference(x, edge_index, W1_rel, W1_root, b1, W2_rel, W2_root, b2):
    # GraphConv (add aggregation): out = lin_rel(sum_{j in N(i)} x_j) + lin_root(x_i)
    src = edge_index[0]
    dst = edge_index[1]
    # layer 1
    msg1 = jnp.take(x, src, axis=0)
    agg1 = jax.ops.segment_sum(msg1, dst, num_segments=N)
    h = agg1 @ W1_rel + x @ W1_root + b1
    h = jax.nn.relu(h)
    # dropout p=0.1 is identity in eval mode
    # layer 2
    msg2 = jnp.take(h, src, axis=0)
    agg2 = jax.ops.segment_sum(msg2, dst, num_segments=N)
    out = agg2 @ W2_rel + h @ W2_root + b2
    return jax.nn.sigmoid(out)

if __name__ == "__main__":
    import jax
    _d = setup_inputs()
    print(jax.jit(kernel)(*tuple(_d.values())))

</pallas_src>

<mosaic_0001>
#map = affine_map<(d0, d1) -> (0, 0)>
#map1 = affine_map<(d0, d1) -> (0)>
#map2 = affine_map<(d0, d1) -> (0, 0, 0)>
module attributes {stable_mosaic.version = 14 : i64} {
  func.func @_sc_segsum_wide(%arg0: i32, %arg1: i32, %arg2: memref<10000x128xf32, #tpu.memory_space<hbm>>, %arg3: memref<327680xi32, #tpu.memory_space<hbm>>, %arg4: memref<327680xi32, #tpu.memory_space<hbm>>, %arg5: memref<2x10000x128xf32, #tpu.memory_space<hbm>>, %arg6: memref<10016x128xf32, #tpu.memory_space<vmem_shared>>, %arg7: memref<128xi32, #tpu.memory_space<vmem>>, %arg8: memref<128xi32, #tpu.memory_space<vmem>>, %arg9: memref<128xi32, #tpu.memory_space<vmem>>, %arg10: memref<128xi32, #tpu.memory_space<vmem>>, %arg11: memref<128xi32, #tpu.memory_space<vmem>>, %arg12: memref<128xi32, #tpu.memory_space<vmem>>, %arg13: memref<128xi32, #tpu.memory_space<vmem>>, %arg14: memref<128x128xf32, #tpu.memory_space<vmem>>, %arg15: memref<128x128xf32, #tpu.memory_space<vmem>>, %arg16: memref<128x128xf32, #tpu.memory_space<vmem>>, %arg17: memref<!tpu.dma_semaphore, #tpu.memory_space<semaphore_mem>>, %arg18: memref<!tpu.dma_semaphore, #tpu.memory_space<semaphore_mem>>, %arg19: memref<!tpu.dma_semaphore, #tpu.memory_space<semaphore_mem>>, %arg20: memref<!tpu.dma_semaphore, #tpu.memory_space<semaphore_mem>>, %arg21: memref<!tpu.dma_semaphore, #tpu.memory_space<semaphore_mem>>, %arg22: memref<!tpu.dma_semaphore, #tpu.memory_space<semaphore_mem>>, %arg23: memref<!tpu.dma_semaphore, #tpu.memory_space<semaphore_mem>>, %arg24: memref<!tpu.dma_semaphore, #tpu.memory_space<semaphore_mem>>, %arg25: memref<!tpu.dma_semaphore, #tpu.memory_space<semaphore_mem>>, %arg26: memref<!tpu.dma_semaphore, #tpu.memory_space<semaphore_mem>>, %arg27: memref<!tpu.dma_semaphore, #tpu.memory_space<semaphore_mem>>, %arg28: memref<!tpu.dma_semaphore, #tpu.memory_space<semaphore_mem>>) attributes {dimension_semantics = [#tpu.dimension_semantics<core_parallel>, #tpu.dimension_semantics<subcore_parallel>], iteration_bounds = array<i64: 2, 16>, scalar_prefetch = 0 : i64, scratch_operands = 23 : i64, tpu.core_type = #tpu.core_type<sc_vector_subcore>, window_params = [{transform_indices = #map}, {transform_indices = #map1}, {transform_indices = #map1}, {transform_indices = #map2}]} {
    %mul3A = arith.constant 2 : i32
    %mul3A_0 = arith.muli %arg1, %mul3A : i32
    %add3A = arith.addi %mul3A_0, %arg0 : i32
    %mul3A_1 = arith.constant 80 : i32
    %mul3A_2 = arith.muli %add3A, %mul3A_1 : i32
    %mul3A_3 = arith.constant 128 : i32
    %mul3A_4 = arith.muli %mul3A_2, %mul3A_3 : i32
    %broadcast_in_dim3A = arith.constant 0.000000e+00 : f32
    %broadcast_in_dim3A_5 = vector.broadcast %broadcast_in_dim3A : f32 to vector<16xf32>
    %scan3A = arith.constant 0 : i32
    %scan3A_6 = arith.constant 0 : i32
    %scan3A_7 = arith.constant 128 : i32
    %scan3A_8 = arith.addi %scan3A_6, %scan3A_7 : i32
    %scan3A_9 = arith.constant 1 : i32
    scf.for %scan3A_36 = %scan3A_6 to %scan3A_8 step %scan3A_9  : i32 {
      %swap3A = arith.index_cast %scan3A_36 : i32 to index
      %swap3A_37 = arith.constant 0 : index
      %swap3A_38 = tpu.vector_load %arg14[%swap3A, %swap3A_37] {strides = array<i32>} : memref<128x128xf32, #tpu.memory_space<vmem>>, vector<1x16xf32>,
      %swap3A_39 = vector.shape_cast %swap3A_38 : vector<1x16xf32> to vector<16xf32>
      %swap3A_40 = vector.shape_cast %broadcast_in_dim3A_5 : vector<16xf32> to vector<1x16xf32>
      tpu.vector_store %arg14[%swap3A, %swap3A_37], %swap3A_40 {strides = array<i32>} : memref<128x128xf32, #tpu.memory_space<vmem>>, vector<1x16xf32>,
      %swap3A_41 = arith.index_cast %scan3A_36 : i32 to index
      %swap3A_42 = arith.constant 16 : index
      %swap3A_43 = tpu.vector_load %arg14[%swap3A_41, %swap3A_42] {strides = array<i32>} : memref<128x128xf32, #tpu.memory_space<vmem>>, vector<1x16xf32>,
      %swap3A_44 = vector.shape_cast %swap3A_43 : vector<1x16xf32> to vector<16xf32>
      %swap3A_45 = vector.shape_cast %broadcast_in_dim3A_5 : vector<16xf32> to vector<1x16xf32>
      tpu.vector_store %arg14[%swap3A_41, %swap3A_42], %swap3A_45 {strides = array<i32>} : memref<128x128xf32, #tpu.memory_space<vmem>>, vector<1x16xf32>,
      %swap3A_46 = arith.index_cast %scan3A_36 : i32 to index
      %swap3A_47 = arith.constant 32 : index
      %swap3A_48 = tpu.vector_load %arg14[%swap3A_46, %swap3A_47] {strides = array<i32>} : memref<128x128xf32, #tpu.memory_space<vmem>>, vector<1x16xf32>,
      %swap3A_49 = vector.shape_cast %swap3A_48 : vector<1x16xf32> to vector<16xf32>
      %swap3A_50 = vector.shape_cast %broadcast_in_dim3A_5 : vector<16xf32> to vector<1x16xf32>
      tpu.vector_store %arg14[%swap3A_46, %swap3A_47], %swap3A_50 {strides = array<i32>} : memref<128x128xf32, #tpu.memory_space<vmem>>, vector<1x16xf32>,
      %swap3A_51 = arith.index_cast %scan3A_36 : i32 to index
      %swap3A_52 = arith.constant 48 : index
      %swap3A_53 = tpu.vector_load %arg14[%swap3A_51, %swap3A_52] {strides = array<i32>} : memref<128x128xf32, #tpu.memory_space<vmem>>, vector<1x16xf32>,
      %swap3A_54 = vector.shape_cast %swap3A_53 : vector<1x16xf32> to vector<16xf32>
      %swap3A_55 = vector.shape_cast %broadcast_in_dim3A_5 : vector<16xf32> to vector<1x16xf32>
      tpu.vector_store %arg14[%swap3A_51, %swap3A_52], %swap3A_55 {strides = array<i32>} : memref<128x128xf32, #tpu.memory_space<vmem>>, vector<1x16xf32>,
      %swap3A_56 = arith.index_cast %scan3A_36 : i32 to index
      %swap3A_57 = arith.constant 64 : index
      %swap3A_58 = tpu.vector_load %arg14[%swap3A_56, %swap3A_57] {strides = array<i32>} : memref<128x128xf32, #tpu.memory_space<vmem>>, vector<1x16xf32>,
      %swap3A_59 = vector.shape_cast %swap3A_58 : vector<1x16xf32> to vector<16xf32>
      %swap3A_60 = vector.shape_cast %broadcast_in_dim3A_5 : vector<16xf32> to vector<1x16xf32>
      tpu.vector_store %arg14[%swap3A_56, %swap3A_57], %swap3A_60 {strides = array<i32>} : memref<128x128xf32, #tpu.memory_space<vmem>>, vector<1x16xf32>,
      %swap3A_61 = arith.index_cast %scan3A_36 : i32 to index
      %swap3A_62 = arith.constant 80 : index
      %swap3A_63 = tpu.vector_load %arg14[%swap3A_61, %swap3A_62] {strides = array<i32>} : memref<128x128xf32, #tpu.memory_space<vmem>>, vector<1x16xf32>,
      %swap3A_64 = vector.shape_cast %swap3A_63 : vector<1x16xf32> to vector<16xf32>
      %swap3A_65 = vector.shape_cast %broadcast_in_dim3A_5 : vector<16xf32> to vector<1x16xf32>
      tpu.vector_store %arg14[%swap3A_61, %swap3A_62], %swap3A_65 {strides = array<i32>} : memref<128x128xf32, #tpu.memory_space<vmem>>, vector<1x16xf32>,
      %swap3A_66 = arith.index_cast %scan3A_36 : i32 to index
      %swap3A_67 = arith.constant 96 : index
      %swap3A_68 = tpu.vector_load %arg14[%swap3A_66, %swap3A_67] {strides = array<i32>} : memref<128x128xf32, #tpu.memory_space<vmem>>, vector<1x16xf32>,
      %swap3A_69 = vector.shape_cast %swap3A_68 : vector<1x16xf32> to vector<16xf32>
      %swap3A_70 = vector.shape_cast %broadcast_in_dim3A_5 : vector<16xf32> to vector<1x16xf32>
      tpu.vector_store %arg14[%swap3A_66, %swap3A_67], %swap3A_70 {strides = array<i32>} : memref<128x128xf32, #tpu.memory_space<vmem>>, vector<1x16xf32>,
      %swap3A_71 = arith.index_cast %scan3A_36 : i32 to index
      %swap3A_72 = arith.constant 112 : index
      %swap3A_73 = tpu.vector_load %arg14[%swap3A_71, %swap3A_72] {strides = array<i32>} : memref<128x128xf32, #tpu.memory_space<vmem>>, vector<1x16xf32>,
      %swap3A_74 = vector.shape_cast %swap3A_73 : vector<1x16xf32> to vector<16xf32>
      %swap3A_75 = vector.shape_cast %broadcast_in_dim3A_5 : vector<16xf32> to vector<1x16xf32>
      tpu.vector_store %arg14[%swap3A_71, %swap3A_72], %swap3A_75 {strides = array<i32>} : memref<128x128xf32, #tpu.memory_space<vmem>>, vector<1x16xf32>,
    }
    %scan3A_10 = arith.constant 128 : i32
    %mul3A_11 = arith.constant 624 : i32
    %mul3A_12 = arith.muli %arg1, %mul3A_11 : i32
    %lt3A = arith.constant 15 : i32
    %lt3A_13 = arith.cmpi slt, %arg1, %lt3A : i32
    %convert_element_type3A = arith.extui %lt3A_13 : i1 to i32
    %cond3A = arith.constant 0 : i32
    %cond3A_14 = arith.cmpi ne, %convert_element_type3A, %cond3A : i32
    scf.if %cond3A_14 {
      %add3A_36 = arith.constant 0 : i32
      %add3A_37 = arith.addi %mul3A_12, %add3A_36 : i32
      "tpu.region"() ({
        %run_scoped3A = tpu.sem_alloc : memref<!tpu.dma_semaphore, #tpu.memory_space<semaphore_mem>>
        %dma_start3A = arith.constant 0 : i32
        %dma_start3A_46 = arith.constant 0 : i32
        %dma_start3A_47 = tpu.memref_slice %arg14[%dma_start3A, %dma_start3A_46] : memref<128x128xf32, #tpu.memory_space<vmem>> -> memref<128x128xf32, #tpu.memory_space<vmem>>
        %dma_start3A_48 = arith.constant 0 : i32
        %dma_start3A_49 = tpu.memref_slice %arg6[%add3A_37, %dma_start3A_48] : memref<10016x128xf32, #tpu.memory_space<vmem_shared>> -> memref<128x128xf32, #tpu.memory_space<vmem_shared>>
        %dma_start3A_50 = arith.constant 0 : i32
        %dma_start3A_51 = tpu.memref_slice %arg6[%add3A_37, %dma_start3A_50] : memref<10016x128xf32, #tpu.memory_space<vmem_shared>> -> memref<128x128xf32, #tpu.memory_space<vmem_shared>>
        %dma_start3A_52 = arith.constant 0 : i32
        %dma_start3A_53 = arith.constant 0 : i32
        %dma_start3A_54 = tpu.memref_slice %arg14[%dma_start3A_52, %dma_start3A_53] : memref<128x128xf32, #tpu.memory_space<vmem>> -> memref<128x128xf32, #tpu.memory_space<vmem>>
        tpu.enqueue_dma source(%dma_start3A_54 : memref<128x128xf32, #tpu.memory_space<vmem>>) target(%dma_start3A_51 : memref<128x128xf32, #tpu.memory_space<vmem_shared>>) target_semaphore(%run_scoped3A : memref<!tpu.dma_semaphore, #tpu.memory_space<semaphore_mem>>)
        %dma_wait3A = arith.constant 0 : i32
        %dma_wait3A_55 = arith.constant 0 : i32
        %dma_wait3A_56 = tpu.memref_slice %arg14[%dma_wait3A, %dma_wait3A_55] : memref<128x128xf32, #tpu.memory_space<vmem>> -> memref<128x128xf32, #tpu.memory_space<vmem>>
        %dma_wait3A_57 = arith.constant 0 : i32
        %dma_wait3A_58 = tpu.memref_slice %arg6[%add3A_37, %dma_wait3A_57] : memref<10016x128xf32, #tpu.memory_space<vmem_shared>> -> memref<128x128xf32, #tpu.memory_space<vmem_shared>>
        %dma_wait3A_59 = arith.constant 0 : i32
        %dma_wait3A_60 = tpu.memref_slice %arg6[%add3A_37, %dma_wait3A_59] : memref<10016x128xf32, #tpu.memory_space<vmem_shared>> -> memref<128x128xf32, #tpu.memory_space<vmem_shared>>
        %dma_wait3A_61 = arith.constant 0 : i32
        %dma_wait3A_62 = arith.constant 0 : i32
        %dma_wait3A_63 = tpu.memref_slice %arg14[%dma_wait3A_61, %dma_wait3A_62] : memref<128x128xf32, #tpu.memory_space<vmem>> -> memref<128x128xf32, #tpu.memory_space<vmem>>
        tpu.wait_dma2 semaphore(%run_scoped3A : memref<!tpu.dma_semaphore, #tpu.memory_space<semaphore_mem>>) src(%dma_wait3A_63 : memref<128x128xf32, #tpu.memory_space<vmem>>) dst(%dma_wait3A_60 : memref<128x128xf32, #tpu.memory_space<vmem_shared>>)
        tpu.yield
      }) : () -> ()
      %add3A_38 = arith.constant 128 : i32
      %add3A_39 = arith.addi %mul3A_12, %add3A_38 : i32
      "tpu.region"() ({
        %run_scoped3A = tpu.sem_alloc : memref<!tpu.dma_semaphore, #tpu.memory_space<semaphore_mem>>
        %dma_start3A = arith.constant 0 : i32
        %dma_start3A_46 = arith.constant 0 : i32
        %dma_start3A_47 = tpu.memref_slice %arg14[%dma_start3A, %dma_start3A_46] : memref<128x128xf32, #tpu.memory_space<vmem>> -> memref<128x128xf32, #tpu.memory_space<vmem>>
        %dma_start3A_48 = arith.constant 0 : i32
        %dma_start3A_49 = tpu.memref_slice %arg6[%add3A_39, %dma_start3A_48] : memref<10016x128xf32, #tpu.memory_space<vmem_shared>> -> memref<128x128xf32, #tpu.memory_space<vmem_shared>>
        %dma_start3A_50 = arith.constant 0 : i32
        %dma_start3A_51 = tpu.memref_slice %arg6[%add3A_39, %dma_start3A_50] : memref<10016x128xf32, #tpu.memory_space<vmem_shared>> -> memref<128x128xf32, #tpu.memory_space<vmem_shared>>
        %dma_start3A_52 = arith.constant 0 : i32
        %dma_start3A_53 = arith.constant 0 : i32
        %dma_start3A_54 = tpu.memref_slice %arg14[%dma_start3A_52, %dma_start3A_53] : memref<128x128xf32, #tpu.memory_space<vmem>> -> memref<128x128xf32, #tpu.memory_space<vmem>>
        tpu.enqueue_dma source(%dma_start3A_54 : memref<128x128xf32, #tpu.memory_space<vmem>>) target(%dma_start3A_51 : memref<128x128xf32, #tpu.memory_space<vmem_shared>>) target_semaphore(%run_scoped3A : memref<!tpu.dma_semaphore, #tpu.memory_space<semaphore_mem>>)
        %dma_wait3A = arith.constant 0 : i32
        %dma_wait3A_55 = arith.constant 0 : i32
        %dma_wait3A_56 = tpu.memref_slice %arg14[%dma_wait3A, %dma_wait3A_55] : memref<128x128xf32, #tpu.memory_space<vmem>> -> memref<128x128xf32, #tpu.memory_space<vmem>>
        %dma_wait3A_57 = arith.constant 0 : i32
        %dma_wait3A_58 = tpu.memref_slice %arg6[%add3A_39, %dma_wait3A_57] : memref<10016x128xf32, #tpu.memory_space<vmem_shared>> -> memref<128x128xf32, #tpu.memory_space<vmem_shared>>
        %dma_wait3A_59 = arith.constant 0 : i32
        %dma_wait3A_60 = tpu.memref_slice %arg6[%add3A_39, %dma_wait3A_59] : memref<10016x128xf32, #tpu.memory_space<vmem_shared>> -> memref<128x128xf32, #tpu.memory_space<vmem_shared>>
        %dma_wait3A_61 = arith.constant 0 : i32
        %dma_wait3A_62 = arith.constant 0 : i32
        %dma_wait3A_63 = tpu.memref_slice %arg14[%dma_wait3A_61, %dma_wait3A_62] : memref<128x128xf32, #tpu.memory_space<vmem>> -> memref<128x128xf32, #tpu.memory_space<vmem>>
        tpu.wait_dma2 semaphore(%run_scoped3A : memref<!tpu.dma_semaphore, #tpu.memory_space<semaphore_mem>>) src(%dma_wait3A_63 : memref<128x128xf32, #tpu.memory_space<vmem>>) dst(%dma_wait3A_60 : memref<128x128xf32, #tpu.memory_space<vmem_shared>>)
        tpu.yield
      }) : () -> ()
      %add3A_40 = arith.constant 256 : i32
      %add3A_41 = arith.addi %mul3A_12, %add3A_40 : i32
      "tpu.region"() ({
        %run_scoped3A = tpu.sem_alloc : memref<!tpu.dma_semaphore, #tpu.memory_space<semaphore_mem>>
        %dma_start3A = arith.constant 0 : i32
        %dma_start3A_46 = arith.constant 0 : i32
        %dma_start3A_47 = tpu.memref_slice %arg14[%dma_start3A, %dma_start3A_46] : memref<128x128xf32, #tpu.memory_space<vmem>> -> memref<128x128xf32, #tpu.memory_space<vmem>>
        %dma_start3A_48 = arith.constant 0 : i32
        %dma_start3A_49 = tpu.memref_slice %arg6[%add3A_41, %dma_start3A_48] : memref<10016x128xf32, #tpu.memory_space<vmem_shared>> -> memref<128x128xf32, #tpu.memory_space<vmem_shared>>
        %dma_start3A_50 = arith.constant 0 : i32
        %dma_start3A_51 = tpu.memref_slice %arg6[%add3A_41, %dma_start3A_50] : memref<10016x128xf32, #tpu.memory_space<vmem_shared>> -> memref<128x128xf32, #tpu.memory_space<vmem_shared>>
        %dma_start3A_52 = arith.constant 0 : i32
        %dma_start3A_53 = arith.constant 0 : i32
        %dma_start3A_54 = tpu.memref_slice %arg14[%dma_start3A_52, %dma_start3A_53] : memref<128x128xf32, #tpu.memory_space<vmem>> -> memref<128x128xf32, #tpu.memory_space<vmem>>
        tpu.enqueue_dma source(%dma_start3A_54 : memref<128x128xf32, #tpu.memory_space<vmem>>) target(%dma_start3A_51 : memref<128x128xf32, #tpu.memory_space<vmem_shared>>) target_semaphore(%run_scoped3A : memref<!tpu.dma_semaphore, #tpu.memory_space<semaphore_mem>>)
        %dma_wait3A = arith.constant 0 : i32
        %dma_wait3A_55 = arith.constant 0 : i32
        %dma_wait3A_56 = tpu.memref_slice %arg14[%dma_wait3A, %dma_wait3A_55] : memref<128x128xf32, #tpu.memory_space<vmem>> -> memref<128x128xf32, #tpu.memory_space<vmem>>
        %dma_wait3A_57 = arith.constant 0 : i32
        %dma_wait3A_58 = tpu.memref_slice %arg6[%add3A_41, %dma_wait3A_57] : memref<10016x128xf32, #tpu.memory_space<vmem_shared>> -> memref<128x128xf32, #tpu.memory_space<vmem_shared>>
        %dma_wait3A_59 = arith.constant 0 : i32
        %dma_wait3A_60 = tpu.memref_slice %arg6[%add3A_41, %dma_wait3A_59] : memref<10016x128xf32, #tpu.memory_space<vmem_shared>> -> memref<128x128xf32, #tpu.memory_space<vmem_shared>>
        %dma_wait3A_61 = arith.constant 0 : i32
        %dma_wait3A_62 = arith.constant 0 : i32
        %dma_wait3A_63 = tpu.memref_slice %arg14[%dma_wait3A_61, %dma_wait3A_62] : memref<128x128xf32, #tpu.memory_space<vmem>> -> memref<128x128xf32, #tpu.memory_space<vmem>>
        tpu.wait_dma2 semaphore(%run_scoped3A : memref<!tpu.dma_semaphore, #tpu.memory_space<semaphore_mem>>) src(%dma_wait3A_63 : memref<128x128xf32, #tpu.memory_space<vmem>>) dst(%dma_wait3A_60 : memref<128x128xf32, #tpu.memory_space<vmem_shared>>)
        tpu.yield
      }) : () -> ()
      %add3A_42 = arith.constant 384 : i32
      %add3A_43 = arith.addi %mul3A_12, %add3A_42 : i32
      "tpu.region"() ({
        %run_scoped3A = tpu.sem_alloc : memref<!tpu.dma_semaphore, #tpu.memory_space<semaphore_mem>>
        %dma_start3A = arith.constant 0 : i32
        %dma_start3A_46 = arith.constant 0 : i32
        %dma_start3A_47 = tpu.memref_slice %arg14[%dma_start3A, %dma_start3A_46] : memref<128x128xf32, #tpu.memory_space<vmem>> -> memref<128x128xf32, #tpu.memory_space<vmem>>
        %dma_start3A_48 = arith.constant 0 : i32
        %dma_start3A_49 = tpu.memref_slice %arg6[%add3A_43, %dma_start3A_48] : memref<10016x128xf32, #tpu.memory_space<vmem_shared>> -> memref<128x128xf32, #tpu.memory_space<vmem_shared>>
        %dma_start3A_50 = arith.constant 0 : i32
        %dma_start3A_51 = tpu.memref_slice %arg6[%add3A_43, %dma_start3A_50] : memref<10016x128xf32, #tpu.memory_space<vmem_shared>> -> memref<128x128xf32, #tpu.memory_space<vmem_shared>>
        %dma_start3A_52 = arith.constant 0 : i32
        %dma_start3A_53 = arith.constant 0 : i32
        %dma_start3A_54 = tpu.memref_slice %arg14[%dma_start3A_52, %dma_start3A_53] : memref<128x128xf32, #tpu.memory_space<vmem>> -> memref<128x128xf32, #tpu.memory_space<vmem>>
        tpu.enqueue_dma source(%dma_start3A_54 : memref<128x128xf32, #tpu.memory_space<vmem>>) target(%dma_start3A_51 : memref<128x128xf32, #tpu.memory_space<vmem_shared>>) target_semaphore(%run_scoped3A : memref<!tpu.dma_semaphore, #tpu.memory_space<semaphore_mem>>)
        %dma_wait3A = arith.constant 0 : i32
        %dma_wait3A_55 = arith.constant 0 : i32
        %dma_wait3A_56 = tpu.memref_slice %arg14[%dma_wait3A, %dma_wait3A_55] : memref<128x128xf32, #tpu.memory_space<vmem>> -> memref<128x128xf32, #tpu.memory_space<vmem>>
        %dma_wait3A_57 = arith.constant 0 : i32
        %dma_wait3A_58 = tpu.memref_slice %arg6[%add3A_43, %dma_wait3A_57] : memref<10016x128xf32, #tpu.memory_space<vmem_shared>> -> memref<128x128xf32, #tpu.memory_space<vmem_shared>>
        %dma_wait3A_59 = arith.constant 0 : i32
        %dma_wait3A_60 = tpu.memref_slice %arg6[%add3A_43, %dma_wait3A_59] : memref<10016x128xf32, #tpu.memory_space<vmem_shared>> -> memref<128x128xf32, #tpu.memory_space<vmem_shared>>
        %dma_wait3A_61 = arith.constant 0 : i32
        %dma_wait3A_62 = arith.constant 0 : i32
        %dma_wait3A_63 = tpu.memref_slice %arg14[%dma_wait3A_61, %dma_wait3A_62] : memref<128x128xf32, #tpu.memory_space<vmem>> -> memref<128x128xf32, #tpu.memory_space<vmem>>
        tpu.wait_dma2 semaphore(%run_scoped3A : memref<!tpu.dma_semaphore, #tpu.memory_space<semaphore_mem>>) src(%dma_wait3A_63 : memref<128x128xf32, #tpu.memory_space<vmem>>) dst(%dma_wait3A_60 : memref<128x128xf32, #tpu.memory_space<vmem_shared>>)
        tpu.yield
      }) : () -> ()
      %add3A_44 = arith.constant 512 : i32
      %add3A_45 = arith.addi %mul3A_12, %add3A_44 : i32
      "tpu.region"() ({
        %run_scoped3A = tpu.sem_alloc : memref<!tpu.dma_semaphore, #tpu.memory_space<semaphore_mem>>
        %dma_start3A = arith.constant 0 : i32
        %dma_start3A_46 = arith.constant 0 : i32
        %dma_start3A_47 = tpu.memref_slice %arg14[%dma_start3A, %dma_start3A_46] : memref<128x128xf32, #tpu.memory_space<vmem>> -> memref<112x128xf32, #tpu.memory_space<vmem>>
        %dma_start3A_48 = arith.constant 0 : i32
        %dma_start3A_49 = tpu.memref_slice %arg6[%add3A_45, %dma_start3A_48] : memref<10016x128xf32, #tpu.memory_space<vmem_shared>> -> memref<112x128xf32, #tpu.memory_space<vmem_shared>>
        %dma_start3A_50 = arith.constant 0 : i32
        %dma_start3A_51 = tpu.memref_slice %arg6[%add3A_45, %dma_start3A_50] : memref<10016x128xf32, #tpu.memory_space<vmem_shared>> -> memref<112x128xf32, #tpu.memory_space<vmem_shared>>
        %dma_start3A_52 = arith.constant 0 : i32
        %dma_start3A_53 = arith.constant 0 : i32
        %dma_start3A_54 = tpu.memref_slice %arg14[%dma_start3A_52, %dma_start3A_53] : memref<128x128xf32, #tpu.memory_space<vmem>> -> memref<112x128xf32, #tpu.memory_space<vmem>>
        tpu.enqueue_dma source(%dma_start3A_54 : memref<112x128xf32, #tpu.memory_space<vmem>>) target(%dma_start3A_51 : memref<112x128xf32, #tpu.memory_space<vmem_shared>>) target_semaphore(%run_scoped3A : memref<!tpu.dma_semaphore, #tpu.memory_space<semaphore_mem>>)
        %dma_wait3A = arith.constant 0 : i32
        %dma_wait3A_55 = arith.constant 0 : i32
        %dma_wait3A_56 = tpu.memref_slice %arg14[%dma_wait3A, %dma_wait3A_55] : memref<128x128xf32, #tpu.memory_space<vmem>> -> memref<112x128xf32, #tpu.memory_space<vmem>>
        %dma_wait3A_57 = arith.constant 0 : i32
        %dma_wait3A_58 = tpu.memref_slice %arg6[%add3A_45, %dma_wait3A_57] : memref<10016x128xf32, #tpu.memory_space<vmem_shared>> -> memref<112x128xf32, #tpu.memory_space<vmem_shared>>
        %dma_wait3A_59 = arith.constant 0 : i32
        %dma_wait3A_60 = tpu.memref_slice %arg6[%add3A_45, %dma_wait3A_59] : memref<10016x128xf32, #tpu.memory_space<vmem_shared>> -> memref<112x128xf32, #tpu.memory_space<vmem_shared>>
        %dma_wait3A_61 = arith.constant 0 : i32
        %dma_wait3A_62 = arith.constant 0 : i32
        %dma_wait3A_63 = tpu.memref_slice %arg14[%dma_wait3A_61, %dma_wait3A_62] : memref<128x128xf32, #tpu.memory_space<vmem>> -> memref<112x128xf32, #tpu.memory_space<vmem>>
        tpu.wait_dma2 semaphore(%run_scoped3A : memref<!tpu.dma_semaphore, #tpu.memory_space<semaphore_mem>>) src(%dma_wait3A_63 : memref<112x128xf32, #tpu.memory_space<vmem>>) dst(%dma_wait3A_60 : memref<112x128xf32, #tpu.memory_space<vmem_shared>>)
        tpu.yield
      }) : () -> ()
    } else {
    }
    %eq3A = arith.constant 15 : i32
    %eq3A_15 = arith.cmpi eq, %arg1, %eq3A : i32
    %convert_element_type3A_16 = arith.extui %eq3A_15 : i1 to i32
    %cond3A_17 = arith.constant 0 : i32
    %cond3A_18 = arith.cmpi ne, %convert_element_type3A_16, %cond3A_17 : i32
    scf.if %cond3A_18 {
      "tpu.region"() ({
        %run_scoped3A = tpu.sem_alloc : memref<!tpu.dma_semaphore, #tpu.memory_space<semaphore_mem>>
        %dma_start3A = arith.constant 9360 : i32
        %dma_start3A_36 = arith.constant 0 : i32
        %dma_start3A_37 = tpu.memref_slice %arg6[%dma_start3A, %dma_start3A_36] : memref<10016x128xf32, #tpu.memory_space<vmem_shared>> -> memref<128x128xf32, #tpu.memory_space<vmem_shared>>
        %dma_start3A_38 = arith.constant 9360 : i32
        %dma_start3A_39 = arith.constant 0 : i32
        %dma_start3A_40 = tpu.memref_slice %arg6[%dma_start3A_38, %dma_start3A_39] : memref<10016x128xf32, #tpu.memory_space<vmem_shared>> -> memref<128x128xf32, #tpu.memory_space<vmem_shared>>
        tpu.enqueue_dma source(%arg14 : memref<128x128xf32, #tpu.memory_space<vmem>>) target(%dma_start3A_40 : memref<128x128xf32, #tpu.memory_space<vmem_shared>>) target_semaphore(%run_scoped3A : memref<!tpu.dma_semaphore, #tpu.memory_space<semaphore_mem>>)
        %dma_wait3A = arith.constant 9360 : i32
        %dma_wait3A_41 = arith.constant 0 : i32
        %dma_wait3A_42 = tpu.memref_slice %arg6[%dma_wait3A, %dma_wait3A_41] : memref<10016x128xf32, #tpu.memory_space<vmem_shared>> -> memref<128x128xf32, #tpu.memory_space<vmem_shared>>
        %dma_wait3A_43 = arith.constant 9360 : i32
        %dma_wait3A_44 = arith.constant 0 : i32
        %dma_wait3A_45 = tpu.memref_slice %arg6[%dma_wait3A_43, %dma_wait3A_44] : memref<10016x128xf32, #tpu.memory_space<vmem_shared>> -> memref<128x128xf32, #tpu.memory_space<vmem_shared>>
        tpu.wait_dma2 semaphore(%run_scoped3A : memref<!tpu.dma_semaphore, #tpu.memory_space<semaphore_mem>>) src(%arg14 : memref<128x128xf32, #tpu.memory_space<vmem>>) dst(%dma_wait3A_45 : memref<128x128xf32, #tpu.memory_space<vmem_shared>>)
        tpu.yield
      }) : () -> ()
      "tpu.region"() ({
        %run_scoped3A = tpu.sem_alloc : memref<!tpu.dma_semaphore, #tpu.memory_space<semaphore_mem>>
        %dma_start3A = arith.constant 9488 : i32
        %dma_start3A_36 = arith.constant 0 : i32
        %dma_start3A_37 = tpu.memref_slice %arg6[%dma_start3A, %dma_start3A_36] : memref<10016x128xf32, #tpu.memory_space<vmem_shared>> -> memref<128x128xf32, #tpu.memory_space<vmem_shared>>
        %dma_start3A_38 = arith.constant 9488 : i32
        %dma_start3A_39 = arith.constant 0 : i32
        %dma_start3A_40 = tpu.memref_slice %arg6[%dma_start3A_38, %dma_start3A_39] : memref<10016x128xf32, #tpu.memory_space<vmem_shared>> -> memref<128x128xf32, #tpu.memory_space<vmem_shared>>
        tpu.enqueue_dma source(%arg14 : memref<128x128xf32, #tpu.memory_space<vmem>>) target(%dma_start3A_40 : memref<128x128xf32, #tpu.memory_space<vmem_shared>>) target_semaphore(%run_scoped3A : memref<!tpu.dma_semaphore, #tpu.memory_space<semaphore_mem>>)
        %dma_wait3A = arith.constant 9488 : i32
        %dma_wait3A_41 = arith.constant 0 : i32
        %dma_wait3A_42 = tpu.memref_slice %arg6[%dma_wait3A, %dma_wait3A_41] : memref<10016x128xf32, #tpu.memory_space<vmem_shared>> -> memref<128x128xf32, #tpu.memory_space<vmem_shared>>
        %dma_wait3A_43 = arith.constant 9488 : i32
        %dma_wait3A_44 = arith.constant 0 : i32
        %dma_wait3A_45 = tpu.memref_slice %arg6[%dma_wait3A_43, %dma_wait3A_44] : memref<10016x128xf32, #tpu.memory_space<vmem_shared>> -> memref<128x128xf32, #tpu.memory_space<vmem_shared>>
        tpu.wait_dma2 semaphore(%run_scoped3A : memref<!tpu.dma_semaphore, #tpu.memory_space<semaphore_mem>>) src(%arg14 : memref<128x128xf32, #tpu.memory_space<vmem>>) dst(%dma_wait3A_45 : memref<128x128xf32, #tpu.memory_space<vmem_shared>>)
        tpu.yield
      }) : () -> ()
      "tpu.region"() ({
        %run_scoped3A = tpu.sem_alloc : memref<!tpu.dma_semaphore, #tpu.memory_space<semaphore_mem>>
        %dma_start3A = arith.constant 9616 : i32
        %dma_start3A_36 = arith.constant 0 : i32
        %dma_start3A_37 = tpu.memref_slice %arg6[%dma_start3A, %dma_start3A_36] : memref<10016x128xf32, #tpu.memory_space<vmem_shared>> -> memref<128x128xf32, #tpu.memory_space<vmem_shared>>
        %dma_start3A_38 = arith.constant 9616 : i32
        %dma_start3A_39 = arith.constant 0 : i32
        %dma_start3A_40 = tpu.memref_slice %arg6[%dma_start3A_38, %dma_start3A_39] : memref<10016x128xf32, #tpu.memory_space<vmem_shared>> -> memref<128x128xf32, #tpu.memory_space<vmem_shared>>
        tpu.enqueue_dma source(%arg14 : memref<128x128xf32, #tpu.memory_space<vmem>>) target(%dma_start3A_40 : memref<128x128xf32, #tpu.memory_space<vmem_shared>>) target_semaphore(%run_scoped3A : memref<!tpu.dma_semaphore, #tpu.memory_space<semaphore_mem>>)
        %dma_wait3A = arith.constant 9616 : i32
        %dma_wait3A_41 = arith.constant 0 : i32
        %dma_wait3A_42 = tpu.memref_slice %arg6[%dma_wait3A, %dma_wait3A_41] : memref<10016x128xf32, #tpu.memory_space<vmem_shared>> -> memref<128x128xf32, #tpu.memory_space<vmem_shared>>
        %dma_wait3A_43 = arith.constant 9616 : i32
        %dma_wait3A_44 = arith.constant 0 : i32
        %dma_wait3A_45 = tpu.memref_slice %arg6[%dma_wait3A_43, %dma_wait3A_44] : memref<10016x128xf32, #tpu.memory_space<vmem_shared>> -> memref<128x128xf32, #tpu.memory_space<vmem_shared>>
        tpu.wait_dma2 semaphore(%run_scoped3A : memref<!tpu.dma_semaphore, #tpu.memory_space<semaphore_mem>>) src(%arg14 : memref<128x128xf32, #tpu.memory_space<vmem>>) dst(%dma_wait3A_45 : memref<128x128xf32, #tpu.memory_space<vmem_shared>>)
        tpu.yield
      }) : () -> ()
      "tpu.region"() ({
        %run_scoped3A = tpu.sem_alloc : memref<!tpu.dma_semaphore, #tpu.memory_space<semaphore_mem>>
        %dma_start3A = arith.constant 9744 : i32
        %dma_start3A_36 = arith.constant 0 : i32
        %dma_start3A_37 = tpu.memref_slice %arg6[%dma_start3A, %dma_start3A_36] : memref<10016x128xf32, #tpu.memory_space<vmem_shared>> -> memref<128x128xf32, #tpu.memory_space<vmem_shared>>
        %dma_start3A_38 = arith.constant 9744 : i32
        %dma_start3A_39 = arith.constant 0 : i32
        %dma_start3A_40 = tpu.memref_slice %arg6[%dma_start3A_38, %dma_start3A_39] : memref<10016x128xf32, #tpu.memory_space<vmem_shared>> -> memref<128x128xf32, #tpu.memory_space<vmem_shared>>
        tpu.enqueue_dma source(%arg14 : memref<128x128xf32, #tpu.memory_space<vmem>>) target(%dma_start3A_40 : memref<128x128xf32, #tpu.memory_space<vmem_shared>>) target_semaphore(%run_scoped3A : memref<!tpu.dma_semaphore, #tpu.memory_space<semaphore_mem>>)
        %dma_wait3A = arith.constant 9744 : i32
        %dma_wait3A_41 = arith.constant 0 : i32
        %dma_wait3A_42 = tpu.memref_slice %arg6[%dma_wait3A, %dma_wait3A_41] : memref<10016x128xf32, #tpu.memory_space<vmem_shared>> -> memref<128x128xf32, #tpu.memory_space<vmem_shared>>
        %dma_wait3A_43 = arith.constant 9744 : i32
        %dma_wait3A_44 = arith.constant 0 : i32
        %dma_wait3A_45 = tpu.memref_slice %arg6[%dma_wait3A_43, %dma_wait3A_44] : memref<10016x128xf32, #tpu.memory_space<vmem_shared>> -> memref<128x128xf32, #tpu.memory_space<vmem_shared>>
        tpu.wait_dma2 semaphore(%run_scoped3A : memref<!tpu.dma_semaphore, #tpu.memory_space<semaphore_mem>>) src(%arg14 : memref<128x128xf32, #tpu.memory_space<vmem>>) dst(%dma_wait3A_45 : memref<128x128xf32, #tpu.memory_space<vmem_shared>>)
        tpu.yield
      }) : () -> ()
      "tpu.region"() ({
        %run_scoped3A = tpu.sem_alloc : memref<!tpu.dma_semaphore, #tpu.memory_space<semaphore_mem>>
        %dma_start3A = arith.constant 9872 : i32
        %dma_start3A_36 = arith.constant 0 : i32
        %dma_start3A_37 = tpu.memref_slice %arg6[%dma_start3A, %dma_start3A_36] : memref<10016x128xf32, #tpu.memory_space<vmem_shared>> -> memref<128x128xf32, #tpu.memory_space<vmem_shared>>
        %dma_start3A_38 = arith.constant 9872 : i32
        %dma_start3A_39 = arith.constant 0 : i32
        %dma_start3A_40 = tpu.memref_slice %arg6[%dma_start3A_38, %dma_start3A_39] : memref<10016x128xf32, #tpu.memory_space<vmem_shared>> -> memref<128x128xf32, #tpu.memory_space<vmem_shared>>
        tpu.enqueue_dma source(%arg14 : memref<128x128xf32, #tpu.memory_space<vmem>>) target(%dma_start3A_40 : memref<128x128xf32, #tpu.memory_space<vmem_shared>>) target_semaphore(%run_scoped3A : memref<!tpu.dma_semaphore, #tpu.memory_space<semaphore_mem>>)
        %dma_wait3A = arith.constant 9872 : i32
        %dma_wait3A_41 = arith.constant 0 : i32
        %dma_wait3A_42 = tpu.memref_slice %arg6[%dma_wait3A, %dma_wait3A_41] : memref<10016x128xf32, #tpu.memory_space<vmem_shared>> -> memref<128x128xf32, #tpu.memory_space<vmem_shared>>
        %dma_wait3A_43 = arith.constant 9872 : i32
        %dma_wait3A_44 = arith.constant 0 : i32
        %dma_wait3A_45 = tpu.memref_slice %arg6[%dma_wait3A_43, %dma_wait3A_44] : memref<10016x128xf32, #tpu.memory_space<vmem_shared>> -> memref<128x128xf32, #tpu.memory_space<vmem_shared>>
        tpu.wait_dma2 semaphore(%run_scoped3A : memref<!tpu.dma_semaphore, #tpu.memory_space<semaphore_mem>>) src(%arg14 : memref<128x128xf32, #tpu.memory_space<vmem>>) dst(%dma_wait3A_45 : memref<128x128xf32, #tpu.memory_space<vmem_shared>>)
        tpu.yield
      }) : () -> ()
      "tpu.region"() ({
        %run_scoped3A = tpu.sem_alloc : memref<!tpu.dma_semaphore, #tpu.memory_space<semaphore_mem>>
        %dma_start3A = arith.constant 0 : i32
        %dma_start3A_36 = arith.constant 0 : i32
        %dma_start3A_37 = tpu.memref_slice %arg14[%dma_start3A, %dma_start3A_36] : memref<128x128xf32, #tpu.memory_space<vmem>> -> memref<16x128xf32, #tpu.memory_space<vmem>>
        %dma_start3A_38 = arith.constant 10000 : i32
        %dma_start3A_39 = arith.constant 0 : i32
        %dma_start3A_40 = tpu.memref_slice %arg6[%dma_start3A_38, %dma_start3A_39] : memref<10016x128xf32, #tpu.memory_space<vmem_shared>> -> memref<16x128xf32, #tpu.memory_space<vmem_shared>>
        %dma_start3A_41 = arith.constant 10000 : i32
        %dma_start3A_42 = arith.constant 0 : i32
        %dma_start3A_43 = tpu.memref_slice %arg6[%dma_start3A_41, %dma_start3A_42] : memref<10016x128xf32, #tpu.memory_space<vmem_shared>> -> memref<16x128xf32, #tpu.memory_space<vmem_shared>>
        %dma_start3A_44 = arith.constant 0 : i32
        %dma_start3A_45 = arith.constant 0 : i32
        %dma_start3A_46 = tpu.memref_slice %arg14[%dma_start3A_44, %dma_start3A_45] : memref<128x128xf32, #tpu.memory_space<vmem>> -> memref<16x128xf32, #tpu.memory_space<vmem>>
        tpu.enqueue_dma source(%dma_start3A_46 : memref<16x128xf32, #tpu.memory_space<vmem>>) target(%dma_start3A_43 : memref<16x128xf32, #tpu.memory_space<vmem_shared>>) target_semaphore(%run_scoped3A : memref<!tpu.dma_semaphore, #tpu.memory_space<semaphore_mem>>)
        %dma_wait3A = arith.constant 0 : i32
        %dma_wait3A_47 = arith.constant 0 : i32
        %dma_wait3A_48 = tpu.memref_slice %arg14[%dma_wait3A, %dma_wait3A_47] : memref<128x128xf32, #tpu.memory_space<vmem>> -> memref<16x128xf32, #tpu.memory_space<vmem>>
        %dma_wait3A_49 = arith.constant 10000 : i32
        %dma_wait3A_50 = arith.constant 0 : i32
        %dma_wait3A_51 = tpu.memref_slice %arg6[%dma_wait3A_49, %dma_wait3A_50] : memref<10016x128xf32, #tpu.memory_space<vmem_shared>> -> memref<16x128xf32, #tpu.memory_space<vmem_shared>>
        %dma_wait3A_52 = arith.constant 10000 : i32
        %dma_wait3A_53 = arith.constant 0 : i32
        %dma_wait3A_54 = tpu.memref_slice %arg6[%dma_wait3A_52, %dma_wait3A_53] : memref<10016x128xf32, #tpu.memory_space<vmem_shared>> -> memref<16x128xf32, #tpu.memory_space<vmem_shared>>
        %dma_wait3A_55 = arith.constant 0 : i32
        %dma_wait3A_56 = arith.constant 0 : i32
        %dma_wait3A_57 = tpu.memref_slice %arg14[%dma_wait3A_55, %dma_wait3A_56] : memref<128x128xf32, #tpu.memory_space<vmem>> -> memref<16x128xf32, #tpu.memory_space<vmem>>
        tpu.wait_dma2 semaphore(%run_scoped3A : memref<!tpu.dma_semaphore, #tpu.memory_space<semaphore_mem>>) src(%dma_wait3A_57 : memref<16x128xf32, #tpu.memory_space<vmem>>) dst(%dma_wait3A_54 : memref<16x128xf32, #tpu.memory_space<vmem_shared>>)
        tpu.yield
      }) : () -> ()
    } else {
    }
    %barrier3A = arith.constant 0 : index
    tpu.barrier barrier_id(%barrier3A)
    %scan3A_19 = arith.constant 0 : i32
    %scan3A_20 = arith.constant 0 : i32
    %scan3A_21 = arith.constant 80 : i32
    %scan3A_22 = arith.addi %scan3A_20, %scan3A_21 : i32
    %scan3A_23 = arith.constant 1 : i32
    scf.for %scan3A_36 = %scan3A_20 to %scan3A_22 step %scan3A_23  : i32 {
      %mul3A_37 = arith.constant 128 : i32
      %mul3A_38 = arith.muli %scan3A_36, %mul3A_37 : i32
      %add3A_39 = arith.addi %mul3A_4, %mul3A_38 : i32
      "tpu.region"() ({
        %run_scoped3A = tpu.sem_alloc : memref<!tpu.dma_semaphore, #tpu.memory_space<semaphore_mem>>
        %dma_start3A_47 = tpu.memref_slice %arg3[%add3A_39] : memref<327680xi32, #tpu.memory_space<hbm>> -> memref<128xi32, #tpu.memory_space<hbm>>
        %dma_start3A_48 = tpu.memref_slice %arg3[%add3A_39] : memref<327680xi32, #tpu.memory_space<hbm>> -> memref<128xi32, #tpu.memory_space<hbm>>
        tpu.enqueue_dma source(%dma_start3A_48 : memref<128xi32, #tpu.memory_space<hbm>>) target(%arg7 : memref<128xi32, #tpu.memory_space<vmem>>) target_semaphore(%run_scoped3A : memref<!tpu.dma_semaphore, #tpu.memory_space<semaphore_mem>>)
        %dma_wait3A_49 = tpu.memref_slice %arg3[%add3A_39] : memref<327680xi32, #tpu.memory_space<hbm>> -> memref<128xi32, #tpu.memory_space<hbm>>
        %dma_wait3A_50 = tpu.memref_slice %arg3[%add3A_39] : memref<327680xi32, #tpu.memory_space<hbm>> -> memref<128xi32, #tpu.memory_space<hbm>>
        tpu.wait_dma2 semaphore(%run_scoped3A : memref<!tpu.dma_semaphore, #tpu.memory_space<semaphore_mem>>) src(%dma_wait3A_50 : memref<128xi32, #tpu.memory_space<hbm>>) dst(%arg7 : memref<128xi32, #tpu.memory_space<vmem>>)
        tpu.yield
      }) : () -> ()
      %dma_start3A = arith.constant 0 : i32
      %dma_start3A_40 = arith.constant 0 : i32
      %dma_start3A_41 = tpu.memref_slice %arg2[%dma_start3A, %dma_start3A_40] : memref<10000x128xf32, #tpu.memory_space<hbm>> -> memref<10000x128xf32, #tpu.memory_space<hbm>>
      tpu.enqueue_indirect_dma source(%dma_start3A_41 : memref<10000x128xf32, #tpu.memory_space<hbm>>) target(%arg14 : memref<128x128xf32, #tpu.memory_space<vmem>>) offsets(%arg7 : memref<128xi32, #tpu.memory_space<vmem>>) semaphore(%arg24 : memref<!tpu.dma_semaphore, #tpu.memory_space<semaphore_mem>>)
      %dma_wait3A = arith.constant 0 : i32
      %dma_wait3A_42 = arith.constant 0 : i32
      %dma_wait3A_43 = tpu.memref_slice %arg2[%dma_wait3A, %dma_wait3A_42] : memref<10000x128xf32, #tpu.memory_space<hbm>> -> memref<10000x128xf32, #tpu.memory_space<hbm>>
      tpu.wait_indirect_dma semaphore(%arg24 : memref<!tpu.dma_semaphore, #tpu.memory_space<semaphore_mem>>) src(%dma_wait3A_43 : memref<10000x128xf32, #tpu.memory_space<hbm>>) dst(%arg14 : memref<128x128xf32, #tpu.memory_space<vmem>>)
      %mul3A_44 = arith.constant 128 : i32
      %mul3A_45 = arith.muli %scan3A_36, %mul3A_44 : i32
      %add3A_46 = arith.addi %mul3A_4, %mul3A_45 : i32
      "tpu.region"() ({
        %run_scoped3A = tpu.sem_alloc : memref<!tpu.dma_semaphore, #tpu.memory_space<semaphore_mem>>
        %dma_start3A_47 = tpu.memref_slice %arg4[%add3A_46] : memref<327680xi32, #tpu.memory_space<hbm>> -> memref<128xi32, #tpu.memory_space<hbm>>
        %dma_start3A_48 = tpu.memref_slice %arg4[%add3A_46] : memref<327680xi32, #tpu.memory_space<hbm>> -> memref<128xi32, #tpu.memory_space<hbm>>
        tpu.enqueue_dma source(%dma_start3A_48 : memref<128xi32, #tpu.memory_space<hbm>>) target(%arg10 : memref<128xi32, #tpu.memory_space<vmem>>) target_semaphore(%run_scoped3A : memref<!tpu.dma_semaphore, #tpu.memory_space<semaphore_mem>>)
        %dma_wait3A_49 = tpu.memref_slice %arg4[%add3A_46] : memref<327680xi32, #tpu.memory_space<hbm>> -> memref<128xi32, #tpu.memory_space<hbm>>
        %dma_wait3A_50 = tpu.memref_slice %arg4[%add3A_46] : memref<327680xi32, #tpu.memory_space<hbm>> -> memref<128xi32, #tpu.memory_space<hbm>>
        tpu.wait_dma2 semaphore(%run_scoped3A : memref<!tpu.dma_semaphore, #tpu.memory_space<semaphore_mem>>) src(%dma_wait3A_50 : memref<128xi32, #tpu.memory_space<hbm>>) dst(%arg10 : memref<128xi32, #tpu.memory_space<vmem>>)
        tpu.yield
      }) : () -> ()
      "tpu.region"() ({
        %run_scoped3A = tpu.sem_alloc : memref<!tpu.dma_semaphore, #tpu.memory_space<semaphore_mem>>
        %dma_start3A_47 = arith.constant 0 : i32
        %dma_start3A_48 = arith.constant 0 : i32
        %dma_start3A_49 = tpu.memref_slice %arg6[%dma_start3A_47, %dma_start3A_48] : memref<10016x128xf32, #tpu.memory_space<vmem_shared>> -> memref<10016x128xf32, #tpu.memory_space<vmem_shared>>
        tpu.enqueue_indirect_dma source(%arg14 : memref<128x128xf32, #tpu.memory_space<vmem>>) target(%dma_start3A_49 : memref<10016x128xf32, #tpu.memory_space<vmem_shared>>) offsets(%arg10 : memref<128xi32, #tpu.memory_space<vmem>>) semaphore(%run_scoped3A : memref<!tpu.dma_semaphore, #tpu.memory_space<semaphore_mem>>) {add = true}
        %dma_wait3A_50 = arith.constant 0 : i32
        %dma_wait3A_51 = arith.constant 0 : i32
        %dma_wait3A_52 = tpu.memref_slice %arg6[%dma_wait3A_50, %dma_wait3A_51] : memref<10016x128xf32, #tpu.memory_space<vmem_shared>> -> memref<10016x128xf32, #tpu.memory_space<vmem_shared>>
        tpu.wait_indirect_dma semaphore(%run_scoped3A : memref<!tpu.dma_semaphore, #tpu.memory_space<semaphore_mem>>) src(%arg14 : memref<128x128xf32, #tpu.memory_space<vmem>>) dst(%dma_wait3A_52 : memref<10016x128xf32, #tpu.memory_space<vmem_shared>>)
        tpu.yield
      }) : () -> ()
    }
    %scan3A_24 = arith.constant 80 : i32
    %barrier3A_25 = arith.constant 0 : index
    tpu.barrier barrier_id(%barrier3A_25)
    %lt3A_26 = arith.constant 15 : i32
    %lt3A_27 = arith.cmpi slt, %arg1, %lt3A_26 : i32
    %convert_element_type3A_28 = arith.extui %lt3A_27 : i1 to i32
    %cond3A_29 = arith.constant 0 : i32
    %cond3A_30 = arith.cmpi ne, %convert_element_type3A_28, %cond3A_29 : i32
    scf.if %cond3A_30 {
      "tpu.region"() ({
        %run_scoped3A = tpu.sem_alloc : memref<!tpu.dma_semaphore, #tpu.memory_space<semaphore_mem>>
        %dma_start3A = arith.constant 0 : i32
        %dma_start3A_36 = tpu.memref_slice %arg5[%arg0, %mul3A_12, %dma_start3A] : memref<2x10000x128xf32, #tpu.memory_space<hbm>> -> memref<1x624x128xf32, #tpu.memory_space<hbm>>
        %dma_start3A_37 = tpu.memref_squeeze %dma_start3A_36 : memref<1x624x128xf32, #tpu.memory_space<hbm>> -> memref<624x128xf32, #tpu.memory_space<hbm>>
        %dma_start3A_38 = arith.constant 0 : i32
        %dma_start3A_39 = tpu.memref_slice %arg6[%mul3A_12, %dma_start3A_38] : memref<10016x128xf32, #tpu.memory_space<vmem_shared>> -> memref<624x128xf32, #tpu.memory_space<vmem_shared>>
        tpu.enqueue_dma source(%dma_start3A_39 : memref<624x128xf32, #tpu.memory_space<vmem_shared>>) target(%dma_start3A_37 : memref<624x128xf32, #tpu.memory_space<hbm>>) target_semaphore(%run_scoped3A : memref<!tpu.dma_semaphore, #tpu.memory_space<semaphore_mem>>)
        %dma_wait3A = arith.constant 0 : i32
        %dma_wait3A_40 = tpu.memref_slice %arg5[%arg0, %mul3A_12, %dma_wait3A] : memref<2x10000x128xf32, #tpu.memory_space<hbm>> -> memref<1x624x128xf32, #tpu.memory_space<hbm>>
        %dma_wait3A_41 = tpu.memref_squeeze %dma_wait3A_40 : memref<1x624x128xf32, #tpu.memory_space<hbm>> -> memref<624x128xf32, #tpu.memory_space<hbm>>
        %dma_wait3A_42 = arith.constant 0 : i32
        %dma_wait3A_43 = tpu.memref_slice %arg6[%mul3A_12, %dma_wait3A_42] : memref<10016x128xf32, #tpu.memory_space<vmem_shared>> -> memref<624x128xf32, #tpu.memory_space<vmem_shared>>
        tpu.wait_dma2 semaphore(%run_scoped3A : memref<!tpu.dma_semaphore, #tpu.memory_space<semaphore_mem>>) src(%dma_wait3A_43 : memref<624x128xf32, #tpu.memory_space<vmem_shared>>) dst(%dma_wait3A_41 : memref<624x128xf32, #tpu.memory_space<hbm>>)
        tpu.yield
      }) : () -> ()
    } else {
    }
    %eq3A_31 = arith.constant 15 : i32
    %eq3A_32 = arith.cmpi eq, %arg1, %eq3A_31 : i32
    %convert_element_type3A_33 = arith.extui %eq3A_32 : i1 to i32
    %cond3A_34 = arith.constant 0 : i32
    %cond3A_35 = arith.cmpi ne, %convert_element_type3A_33, %cond3A_34 : i32
    scf.if %cond3A_35 {
      "tpu.region"() ({
        %run_scoped3A = tpu.sem_alloc : memref<!tpu.dma_semaphore, #tpu.memory_space<semaphore_mem>>
        %dma_start3A = arith.constant 9360 : i32
        %dma_start3A_36 = arith.constant 0 : i32
        %dma_start3A_37 = tpu.memref_slice %arg5[%arg0, %dma_start3A, %dma_start3A_36] : memref<2x10000x128xf32, #tpu.memory_space<hbm>> -> memref<1x640x128xf32, #tpu.memory_space<hbm>>
        %dma_start3A_38 = tpu.memref_squeeze %dma_start3A_37 : memref<1x640x128xf32, #tpu.memory_space<hbm>> -> memref<640x128xf32, #tpu.memory_space<hbm>>
        %dma_start3A_39 = arith.constant 9360 : i32
        %dma_start3A_40 = arith.constant 0 : i32
        %dma_start3A_41 = tpu.memref_slice %arg6[%dma_start3A_39, %dma_start3A_40] : memref<10016x128xf32, #tpu.memory_space<vmem_shared>> -> memref<640x128xf32, #tpu.memory_space<vmem_shared>>
        tpu.enqueue_dma source(%dma_start3A_41 : memref<640x128xf32, #tpu.memory_space<vmem_shared>>) target(%dma_start3A_38 : memref<640x128xf32, #tpu.memory_space<hbm>>) target_semaphore(%run_scoped3A : memref<!tpu.dma_semaphore, #tpu.memory_space<semaphore_mem>>)
        %dma_wait3A = arith.constant 9360 : i32
        %dma_wait3A_42 = arith.constant 0 : i32
        %dma_wait3A_43 = tpu.memref_slice %arg5[%arg0, %dma_wait3A, %dma_wait3A_42] : memref<2x10000x128xf32, #tpu.memory_space<hbm>> -> memref<1x640x128xf32, #tpu.memory_space<hbm>>
        %dma_wait3A_44 = tpu.memref_squeeze %dma_wait3A_43 : memref<1x640x128xf32, #tpu.memory_space<hbm>> -> memref<640x128xf32, #tpu.memory_space<hbm>>
        %dma_wait3A_45 = arith.constant 9360 : i32
        %dma_wait3A_46 = arith.constant 0 : i32
        %dma_wait3A_47 = tpu.memref_slice %arg6[%dma_wait3A_45, %dma_wait3A_46] : memref<10016x128xf32, #tpu.memory_space<vmem_shared>> -> memref<640x128xf32, #tpu.memory_space<vmem_shared>>
        tpu.wait_dma2 semaphore(%run_scoped3A : memref<!tpu.dma_semaphore, #tpu.memory_space<semaphore_mem>>) src(%dma_wait3A_47 : memref<640x128xf32, #tpu.memory_space<vmem_shared>>) dst(%dma_wait3A_44 : memref<640x128xf32, #tpu.memory_space<hbm>>)
        tpu.yield
      }) : () -> ()
    } else {
    }
    return
  }
}

#map = affine_map<(d0, d1) -> (0, 0)>
#map1 = affine_map<(d0, d1) -> (0)>
#map2 = affine_map<(d0, d1) -> (0, 0, 0)>
module attributes {stable_mosaic.version = 14 : i64} {
  func.func @_sc_segsum_wide(%arg0: i32, %arg1: i32, %arg2: memref<10000x128xf32, #tpu.memory_space<hbm>>, %arg3: memref<327680xi32, #tpu.memory_space<hbm>>, %arg4: memref<327680xi32, #tpu.memory_space<hbm>>, %arg5: memref<2x10000x128xf32, #tpu.memory_space<hbm>>, %arg6: memref<10016x128xf32, #tpu.memory_space<vmem_shared>>, %arg7: memref<128xi32, #tpu.memory_space<vmem>>, %arg8: memref<128xi32, #tpu.memory_space<vmem>>, %arg9: memref<128xi32, #tpu.memory_space<vmem>>, %arg10: memref<128xi32, #tpu.memory_space<vmem>>, %arg11: memref<128xi32, #tpu.memory_space<vmem>>, %arg12: memref<128xi32, #tpu.memory_space<vmem>>, %arg13: memref<128xi32, #tpu.memory_space<vmem>>, %arg14: memref<128x128xf32, #tpu.memory_space<vmem>>, %arg15: memref<128x128xf32, #tpu.memory_space<vmem>>, %arg16: memref<128x128xf32, #tpu.memory_space<vmem>>, %arg17: memref<!tpu.dma_semaphore, #tpu.memory_space<semaphore_mem>>, %arg18: memref<!tpu.dma_semaphore, #tpu.memory_space<semaphore_mem>>, %arg19: memref<!tpu.dma_semaphore, #tpu.memory_space<semaphore_mem>>, %arg20: memref<!tpu.dma_semaphore, #tpu.memory_space<semaphore_mem>>, %arg21: memref<!tpu.dma_semaphore, #tpu.memory_space<semaphore_mem>>, %arg22: memref<!tpu.dma_semaphore, #tpu.memory_space<semaphore_mem>>, %arg23: memref<!tpu.dma_semaphore, #tpu.memory_space<semaphore_mem>>, %arg24: memref<!tpu.dma_semaphore, #tpu.memory_space<semaphore_mem>>, %arg25: memref<!tpu.dma_semaphore, #tpu.memory_space<semaphore_mem>>, %arg26: memref<!tpu.dma_semaphore, #tpu.memory_space<semaphore_mem>>, %arg27: memref<!tpu.dma_semaphore, #tpu.memory_space<semaphore_mem>>, %arg28: memref<!tpu.dma_semaphore, #tpu.memory_space<semaphore_mem>>) attributes {dimension_semantics = [#tpu.dimension_semantics<core_parallel>, #tpu.dimension_semantics<subcore_parallel>], iteration_bounds = array<i64: 2, 16>, scalar_prefetch = 0 : i64, scratch_operands = 23 : i64, tpu.core_type = #tpu.core_type<sc_vector_subcore>, window_params = [{transform_indices = #map}, {transform_indices = #map1}, {transform_indices = #map1}, {transform_indices = #map2}]} {
    %mul3A = arith.constant 2 : i32
    %mul3A_0 = arith.muli %arg1, %mul3A : i32
    %add3A = arith.addi %mul3A_0, %arg0 : i32
    %mul3A_1 = arith.constant 80 : i32
    %mul3A_2 = arith.muli %add3A, %mul3A_1 : i32
    %mul3A_3 = arith.constant 128 : i32
    %mul3A_4 = arith.muli %mul3A_2, %mul3A_3 : i32
    %broadcast_in_dim3A = arith.constant 0.000000e+00 : f32
    %broadcast_in_dim3A_5 = vector.broadcast %broadcast_in_dim3A : f32 to vector<16xf32>
    %scan3A = arith.constant 0 : i32
    %scan3A_6 = arith.constant 0 : i32
    %scan3A_7 = arith.constant 128 : i32
    %scan3A_8 = arith.addi %scan3A_6, %scan3A_7 : i32
    %scan3A_9 = arith.constant 1 : i32
    scf.for %scan3A_36 = %scan3A_6 to %scan3A_8 step %scan3A_9  : i32 {
      %swap3A = arith.index_cast %scan3A_36 : i32 to index
      %swap3A_37 = arith.constant 0 : index
      %swap3A_38 = tpu.vector_load %arg14[%swap3A, %swap3A_37] {strides = array<i32>} : memref<128x128xf32, #tpu.memory_space<vmem>>, vector<1x16xf32>,
      %swap3A_39 = vector.shape_cast %swap3A_38 : vector<1x16xf32> to vector<16xf32>
      %swap3A_40 = vector.shape_cast %broadcast_in_dim3A_5 : vector<16xf32> to vector<1x16xf32>
      tpu.vector_store %arg14[%swap3A, %swap3A_37], %swap3A_40 {strides = array<i32>} : memref<128x128xf32, #tpu.memory_space<vmem>>, vector<1x16xf32>,
      %swap3A_41 = arith.index_cast %scan3A_36 : i32 to index
      %swap3A_42 = arith.constant 16 : index
      %swap3A_43 = tpu.vector_load %arg14[%swap3A_41, %swap3A_42] {strides = array<i32>} : memref<128x128xf32, #tpu.memory_space<vmem>>, vector<1x16xf32>,
      %swap3A_44 = vector.shape_cast %swap3A_43 : vector<1x16xf32> to vector<16xf32>
      %swap3A_45 = vector.shape_cast %broadcast_in_dim3A_5 : vector<16xf32> to vector<1x16xf32>
      tpu.vector_store %arg14[%swap3A_41, %swap3A_42], %swap3A_45 {strides = array<i32>} : memref<128x128xf32, #tpu.memory_space<vmem>>, vector<1x16xf32>,
      %swap3A_46 = arith.index_cast %scan3A_36 : i32 to index
      %swap3A_47 = arith.constant 32 : index
      %swap3A_48 = tpu.vector_load %arg14[%swap3A_46, %swap3A_47] {strides = array<i32>} : memref<128x128xf32, #tpu.memory_space<vmem>>, vector<1x16xf32>,
      %swap3A_49 = vector.shape_cast %swap3A_48 : vector<1x16xf32> to vector<16xf32>
      %swap3A_50 = vector.shape_cast %broadcast_in_dim3A_5 : vector<16xf32> to vector<1x16xf32>
      tpu.vector_store %arg14[%swap3A_46, %swap3A_47], %swap3A_50 {strides = array<i32>} : memref<128x128xf32, #tpu.memory_space<vmem>>, vector<1x16xf32>,
      %swap3A_51 = arith.index_cast %scan3A_36 : i32 to index
      %swap3A_52 = arith.constant 48 : index
      %swap3A_53 = tpu.vector_load %arg14[%swap3A_51, %swap3A_52] {strides = array<i32>} : memref<128x128xf32, #tpu.memory_space<vmem>>, vector<1x16xf32>,
      %swap3A_54 = vector.shape_cast %swap3A_53 : vector<1x16xf32> to vector<16xf32>
      %swap3A_55 = vector.shape_cast %broadcast_in_dim3A_5 : vector<16xf32> to vector<1x16xf32>
      tpu.vector_store %arg14[%swap3A_51, %swap3A_52], %swap3A_55 {strides = array<i32>} : memref<128x128xf32, #tpu.memory_space<vmem>>, vector<1x16xf32>,
      %swap3A_56 = arith.index_cast %scan3A_36 : i32 to index
      %swap3A_57 = arith.constant 64 : index
      %swap3A_58 = tpu.vector_load %arg14[%swap3A_56, %swap3A_57] {strides = array<i32>} : memref<128x128xf32, #tpu.memory_space<vmem>>, vector<1x16xf32>,
      %swap3A_59 = vector.shape_cast %swap3A_58 : vector<1x16xf32> to vector<16xf32>
      %swap3A_60 = vector.shape_cast %broadcast_in_dim3A_5 : vector<16xf32> to vector<1x16xf32>
      tpu.vector_store %arg14[%swap3A_56, %swap3A_57], %swap3A_60 {strides = array<i32>} : memref<128x128xf32, #tpu.memory_space<vmem>>, vector<1x16xf32>,
      %swap3A_61 = arith.index_cast %scan3A_36 : i32 to index
      %swap3A_62 = arith.constant 80 : index
      %swap3A_63 = tpu.vector_load %arg14[%swap3A_61, %swap3A_62] {strides = array<i32>} : memref<128x128xf32, #tpu.memory_space<vmem>>, vector<1x16xf32>,
      %swap3A_64 = vector.shape_cast %swap3A_63 : vector<1x16xf32> to vector<16xf32>
      %swap3A_65 = vector.shape_cast %broadcast_in_dim3A_5 : vector<16xf32> to vector<1x16xf32>
      tpu.vector_store %arg14[%swap3A_61, %swap3A_62], %swap3A_65 {strides = array<i32>} : memref<128x128xf32, #tpu.memory_space<vmem>>, vector<1x16xf32>,
      %swap3A_66 = arith.index_cast %scan3A_36 : i32 to index
      %swap3A_67 = arith.constant 96 : index
      %swap3A_68 = tpu.vector_load %arg14[%swap3A_66, %swap3A_67] {strides = array<i32>} : memref<128x128xf32, #tpu.memory_space<vmem>>, vector<1x16xf32>,
      %swap3A_69 = vector.shape_cast %swap3A_68 : vector<1x16xf32> to vector<16xf32>
      %swap3A_70 = vector.shape_cast %broadcast_in_dim3A_5 : vector<16xf32> to vector<1x16xf32>
      tpu.vector_store %arg14[%swap3A_66, %swap3A_67], %swap3A_70 {strides = array<i32>} : memref<128x128xf32, #tpu.memory_space<vmem>>, vector<1x16xf32>,
      %swap3A_71 = arith.index_cast %scan3A_36 : i32 to index
      %swap3A_72 = arith.constant 112 : index
      %swap3A_73 = tpu.vector_load %arg14[%swap3A_71, %swap3A_72] {strides = array<i32>} : memref<128x128xf32, #tpu.memory_space<vmem>>, vector<1x16xf32>,
      %swap3A_74 = vector.shape_cast %swap3A_73 : vector<1x16xf32> to vector<16xf32>
      %swap3A_75 = vector.shape_cast %broadcast_in_dim3A_5 : vector<16xf32> to vector<1x16xf32>
      tpu.vector_store %arg14[%swap3A_71, %swap3A_72], %swap3A_75 {strides = array<i32>} : memref<128x128xf32, #tpu.memory_space<vmem>>, vector<1x16xf32>,
    }
    %scan3A_10 = arith.constant 128 : i32
    %mul3A_11 = arith.constant 624 : i32
    %mul3A_12 = arith.muli %arg1, %mul3A_11 : i32
    %lt3A = arith.constant 15 : i32
    %lt3A_13 = arith.cmpi slt, %arg1, %lt3A : i32
    %convert_element_type3A = arith.extui %lt3A_13 : i1 to i32
    %cond3A = arith.constant 0 : i32
    %cond3A_14 = arith.cmpi ne, %convert_element_type3A, %cond3A : i32
    scf.if %cond3A_14 {
      %add3A_36 = arith.constant 0 : i32
      %add3A_37 = arith.addi %mul3A_12, %add3A_36 : i32
      "tpu.region"() ({
        %run_scoped3A = tpu.sem_alloc : memref<!tpu.dma_semaphore, #tpu.memory_space<semaphore_mem>>
        %dma_start3A = arith.constant 0 : i32
        %dma_start3A_46 = arith.constant 0 : i32
        %dma_start3A_47 = tpu.memref_slice %arg14[%dma_start3A, %dma_start3A_46] : memref<128x128xf32, #tpu.memory_space<vmem>> -> memref<128x128xf32, #tpu.memory_space<vmem>>
        %dma_start3A_48 = arith.constant 0 : i32
        %dma_start3A_49 = tpu.memref_slice %arg6[%add3A_37, %dma_start3A_48] : memref<10016x128xf32, #tpu.memory_space<vmem_shared>> -> memref<128x128xf32, #tpu.memory_space<vmem_shared>>
        %dma_start3A_50 = arith.constant 0 : i32
        %dma_start3A_51 = tpu.memref_slice %arg6[%add3A_37, %dma_start3A_50] : memref<10016x128xf32, #tpu.memory_space<vmem_shared>> -> memref<128x128xf32, #tpu.memory_space<vmem_shared>>
        %dma_start3A_52 = arith.constant 0 : i32
        %dma_start3A_53 = arith.constant 0 : i32
        %dma_start3A_54 = tpu.memref_slice %arg14[%dma_start3A_52, %dma_start3A_53] : memref<128x128xf32, #tpu.memory_space<vmem>> -> memref<128x128xf32, #tpu.memory_space<vmem>>
        tpu.enqueue_dma source(%dma_start3A_54 : memref<128x128xf32, #tpu.memory_space<vmem>>) target(%dma_start3A_51 : memref<128x128xf32, #tpu.memory_space<vmem_shared>>) target_semaphore(%run_scoped3A : memref<!tpu.dma_semaphore, #tpu.memory_space<semaphore_mem>>)
        %dma_wait3A = arith.constant 0 : i32
        %dma_wait3A_55 = arith.constant 0 : i32
        %dma_wait3A_56 = tpu.memref_slice %arg14[%dma_wait3A, %dma_wait3A_55] : memref<128x128xf32, #tpu.memory_space<vmem>> -> memref<128x128xf32, #tpu.memory_space<vmem>>
        %dma_wait3A_57 = arith.constant 0 : i32
        %dma_wait3A_58 = tpu.memref_slice %arg6[%add3A_37, %dma_wait3A_57] : memref<10016x128xf32, #tpu.memory_space<vmem_shared>> -> memref<128x128xf32, #tpu.memory_space<vmem_shared>>
        %dma_wait3A_59 = arith.constant 0 : i32
        %dma_wait3A_60 = tpu.memref_slice %arg6[%add3A_37, %dma_wait3A_59] : memref<10016x128xf32, #tpu.memory_space<vmem_shared>> -> memref<128x128xf32, #tpu.memory_space<vmem_shared>>
        %dma_wait3A_61 = arith.constant 0 : i32
        %dma_wait3A_62 = arith.constant 0 : i32
        %dma_wait3A_63 = tpu.memref_slice %arg14[%dma_wait3A_61, %dma_wait3A_62] : memref<128x128xf32, #tpu.memory_space<vmem>> -> memref<128x128xf32, #tpu.memory_space<vmem>>
        tpu.wait_dma2 semaphore(%run_scoped3A : memref<!tpu.dma_semaphore, #tpu.memory_space<semaphore_mem>>) src(%dma_wait3A_63 : memref<128x128xf32, #tpu.memory_space<vmem>>) dst(%dma_wait3A_60 : memref<128x128xf32, #tpu.memory_space<vmem_shared>>)
        tpu.yield
      }) : () -> ()
      %add3A_38 = arith.constant 128 : i32
      %add3A_39 = arith.addi %mul3A_12, %add3A_38 : i32
      "tpu.region"() ({
        %run_scoped3A = tpu.sem_alloc : memref<!tpu.dma_semaphore, #tpu.memory_space<semaphore_mem>>
        %dma_start3A = arith.constant 0 : i32
        %dma_start3A_46 = arith.constant 0 : i32
        %dma_start3A_47 = tpu.memref_slice %arg14[%dma_start3A, %dma_start3A_46] : memref<128x128xf32, #tpu.memory_space<vmem>> -> memref<128x128xf32, #tpu.memory_space<vmem>>
        %dma_start3A_48 = arith.constant 0 : i32
        %dma_start3A_49 = tpu.memref_slice %arg6[%add3A_39, %dma_start3A_48] : memref<10016x128xf32, #tpu.memory_space<vmem_shared>> -> memref<128x128xf32, #tpu.memory_space<vmem_shared>>
        %dma_start3A_50 = arith.constant 0 : i32
        %dma_start3A_51 = tpu.memref_slice %arg6[%add3A_39, %dma_start3A_50] : memref<10016x128xf32, #tpu.memory_space<vmem_shared>> -> memref<128x128xf32, #tpu.memory_space<vmem_shared>>
        %dma_start3A_52 = arith.constant 0 : i32
        %dma_start3A_53 = arith.constant 0 : i32
        %dma_start3A_54 = tpu.memref_slice %arg14[%dma_start3A_52, %dma_start3A_53] : memref<128x128xf32, #tpu.memory_space<vmem>> -> memref<128x128xf32, #tpu.memory_space<vmem>>
        tpu.enqueue_dma source(%dma_start3A_54 : memref<128x128xf32, #tpu.memory_space<vmem>>) target(%dma_start3A_51 : memref<128x128xf32, #tpu.memory_space<vmem_shared>>) target_semaphore(%run_scoped3A : memref<!tpu.dma_semaphore, #tpu.memory_space<semaphore_mem>>)
        %dma_wait3A = arith.constant 0 : i32
        %dma_wait3A_55 = arith.constant 0 : i32
        %dma_wait3A_56 = tpu.memref_slice %arg14[%dma_wait3A, %dma_wait3A_55] : memref<128x128xf32, #tpu.memory_space<vmem>> -> memref<128x128xf32, #tpu.memory_space<vmem>>
        %dma_wait3A_57 = arith.constant 0 : i32
        %dma_wait3A_58 = tpu.memref_slice %arg6[%add3A_39, %dma_wait3A_57] : memref<10016x128xf32, #tpu.memory_space<vmem_shared>> -> memref<128x128xf32, #tpu.memory_space<vmem_shared>>
        %dma_wait3A_59 = arith.constant 0 : i32
        %dma_wait3A_60 = tpu.memref_slice %arg6[%add3A_39, %dma_wait3A_59] : memref<10016x128xf32, #tpu.memory_space<vmem_shared>> -> memref<128x128xf32, #tpu.memory_space<vmem_shared>>
        %dma_wait3A_61 = arith.constant 0 : i32
        %dma_wait3A_62 = arith.constant 0 : i32
        %dma_wait3A_63 = tpu.memref_slice %arg14[%dma_wait3A_61, %dma_wait3A_62] : memref<128x128xf32, #tpu.memory_space<vmem>> -> memref<128x128xf32, #tpu.memory_space<vmem>>
        tpu.wait_dma2 semaphore(%run_scoped3A : memref<!tpu.dma_semaphore, #tpu.memory_space<semaphore_mem>>) src(%dma_wait3A_63 : memref<128x128xf32, #tpu.memory_space<vmem>>) dst(%dma_wait3A_60 : memref<128x128xf32, #tpu.memory_space<vmem_shared>>)
        tpu.yield
      }) : () -> ()
      %add3A_40 = arith.constant 256 : i32
      %add3A_41 = arith.addi %mul3A_12, %add3A_40 : i32
      "tpu.region"() ({
        %run_scoped3A = tpu.sem_alloc : memref<!tpu.dma_semaphore, #tpu.memory_space<semaphore_mem>>
        %dma_start3A = arith.constant 0 : i32
        %dma_start3A_46 = arith.constant 0 : i32
        %dma_start3A_47 = tpu.memref_slice %arg14[%dma_start3A, %dma_start3A_46] : memref<128x128xf32, #tpu.memory_space<vmem>> -> memref<128x128xf32, #tpu.memory_space<vmem>>
        %dma_start3A_48 = arith.constant 0 : i32
        %dma_start3A_49 = tpu.memref_slice %arg6[%add3A_41, %dma_start3A_48] : memref<10016x128xf32, #tpu.memory_space<vmem_shared>> -> memref<128x128xf32, #tpu.memory_space<vmem_shared>>
        %dma_start3A_50 = arith.constant 0 : i32
        %dma_start3A_51 = tpu.memref_slice %arg6[%add3A_41, %dma_start3A_50] : memref<10016x128xf32, #tpu.memory_space<vmem_shared>> -> memref<128x128xf32, #tpu.memory_space<vmem_shared>>
        %dma_start3A_52 = arith.constant 0 : i32
        %dma_start3A_53 = arith.constant 0 : i32
        %dma_start3A_54 = tpu.memref_slice %arg14[%dma_start3A_52, %dma_start3A_53] : memref<128x128xf32, #tpu.memory_space<vmem>> -> memref<128x128xf32, #tpu.memory_space<vmem>>
        tpu.enqueue_dma source(%dma_start3A_54 : memref<128x128xf32, #tpu.memory_space<vmem>>) target(%dma_start3A_51 : memref<128x128xf32, #tpu.memory_space<vmem_shared>>) target_semaphore(%run_scoped3A : memref<!tpu.dma_semaphore, #tpu.memory_space<semaphore_mem>>)
        %dma_wait3A = arith.constant 0 : i32
        %dma_wait3A_55 = arith.constant 0 : i32
        %dma_wait3A_56 = tpu.memref_slice %arg14[%dma_wait3A, %dma_wait3A_55] : memref<128x128xf32, #tpu.memory_space<vmem>> -> memref<128x128xf32, #tpu.memory_space<vmem>>
        %dma_wait3A_57 = arith.constant 0 : i32
        %dma_wait3A_58 = tpu.memref_slice %arg6[%add3A_41, %dma_wait3A_57] : memref<10016x128xf32, #tpu.memory_space<vmem_shared>> -> memref<128x128xf32, #tpu.memory_space<vmem_shared>>
        %dma_wait3A_59 = arith.constant 0 : i32
        %dma_wait3A_60 = tpu.memref_slice %arg6[%add3A_41, %dma_wait3A_59] : memref<10016x128xf32, #tpu.memory_space<vmem_shared>> -> memref<128x128xf32, #tpu.memory_space<vmem_shared>>
        %dma_wait3A_61 = arith.constant 0 : i32
        %dma_wait3A_62 = arith.constant 0 : i32
        %dma_wait3A_63 = tpu.memref_slice %arg14[%dma_wait3A_61, %dma_wait3A_62] : memref<128x128xf32, #tpu.memory_space<vmem>> -> memref<128x128xf32, #tpu.memory_space<vmem>>
        tpu.wait_dma2 semaphore(%run_scoped3A : memref<!tpu.dma_semaphore, #tpu.memory_space<semaphore_mem>>) src(%dma_wait3A_63 : memref<128x128xf32, #tpu.memory_space<vmem>>) dst(%dma_wait3A_60 : memref<128x128xf32, #tpu.memory_space<vmem_shared>>)
        tpu.yield
      }) : () -> ()
      %add3A_42 = arith.constant 384 : i32
      %add3A_43 = arith.addi %mul3A_12, %add3A_42 : i32
      "tpu.region"() ({
        %run_scoped3A = tpu.sem_alloc : memref<!tpu.dma_semaphore, #tpu.memory_space<semaphore_mem>>
        %dma_start3A = arith.constant 0 : i32
        %dma_start3A_46 = arith.constant 0 : i32
        %dma_start3A_47 = tpu.memref_slice %arg14[%dma_start3A, %dma_start3A_46] : memref<128x128xf32, #tpu.memory_space<vmem>> -> memref<128x128xf32, #tpu.memory_space<vmem>>
        %dma_start3A_48 = arith.constant 0 : i32
        %dma_start3A_49 = tpu.memref_slice %arg6[%add3A_43, %dma_start3A_48] : memref<10016x128xf32, #tpu.memory_space<vmem_shared>> -> memref<128x128xf32, #tpu.memory_space<vmem_shared>>
        %dma_start3A_50 = arith.constant 0 : i32
        %dma_start3A_51 = tpu.memref_slice %arg6[%add3A_43, %dma_start3A_50] : memref<10016x128xf32, #tpu.memory_space<vmem_shared>> -> memref<128x128xf32, #tpu.memory_space<vmem_shared>>
        %dma_start3A_52 = arith.constant 0 : i32
        %dma_start3A_53 = arith.constant 0 : i32
        %dma_start3A_54 = tpu.memref_slice %arg14[%dma_start3A_52, %dma_start3A_53] : memref<128x128xf32, #tpu.memory_space<vmem>> -> memref<128x128xf32, #tpu.memory_space<vmem>>
        tpu.enqueue_dma source(%dma_start3A_54 : memref<128x128xf32, #tpu.memory_space<vmem>>) target(%dma_start3A_51 : memref<128x128xf32, #tpu.memory_space<vmem_shared>>) target_semaphore(%run_scoped3A : memref<!tpu.dma_semaphore, #tpu.memory_space<semaphore_mem>>)
        %dma_wait3A = arith.constant 0 : i32
        %dma_wait3A_55 = arith.constant 0 : i32
        %dma_wait3A_56 = tpu.memref_slice %arg14[%dma_wait3A, %dma_wait3A_55] : memref<128x128xf32, #tpu.memory_space<vmem>> -> memref<128x128xf32, #tpu.memory_space<vmem>>
        %dma_wait3A_57 = arith.constant 0 : i32
        %dma_wait3A_58 = tpu.memref_slice %arg6[%add3A_43, %dma_wait3A_57] : memref<10016x128xf32, #tpu.memory_space<vmem_shared>> -> memref<128x128xf32, #tpu.memory_space<vmem_shared>>
        %dma_wait3A_59 = arith.constant 0 : i32
        %dma_wait3A_60 = tpu.memref_slice %arg6[%add3A_43, %dma_wait3A_59] : memref<10016x128xf32, #tpu.memory_space<vmem_shared>> -> memref<128x128xf32, #tpu.memory_space<vmem_shared>>
        %dma_wait3A_61 = arith.constant 0 : i32
        %dma_wait3A_62 = arith.constant 0 : i32
        %dma_wait3A_63 = tpu.memref_slice %arg14[%dma_wait3A_61, %dma_wait3A_62] : memref<128x128xf32, #tpu.memory_space<vmem>> -> memref<128x128xf32, #tpu.memory_space<vmem>>
        tpu.wait_dma2 semaphore(%run_scoped3A : memref<!tpu.dma_semaphore, #tpu.memory_space<semaphore_mem>>) src(%dma_wait3A_63 : memref<128x128xf32, #tpu.memory_space<vmem>>) dst(%dma_wait3A_60 : memref<128x128xf32, #tpu.memory_space<vmem_shared>>)
        tpu.yield
      }) : () -> ()
      %add3A_44 = arith.constant 512 : i32
      %add3A_45 = arith.addi %mul3A_12, %add3A_44 : i32
      "tpu.region"() ({
        %run_scoped3A = tpu.sem_alloc : memref<!tpu.dma_semaphore, #tpu.memory_space<semaphore_mem>>
        %dma_start3A = arith.constant 0 : i32
        %dma_start3A_46 = arith.constant 0 : i32
        %dma_start3A_47 = tpu.memref_slice %arg14[%dma_start3A, %dma_start3A_46] : memref<128x128xf32, #tpu.memory_space<vmem>> -> memref<112x128xf32, #tpu.memory_space<vmem>>
        %dma_start3A_48 = arith.constant 0 : i32
        %dma_start3A_49 = tpu.memref_slice %arg6[%add3A_45, %dma_start3A_48] : memref<10016x128xf32, #tpu.memory_space<vmem_shared>> -> memref<112x128xf32, #tpu.memory_space<vmem_shared>>
        %dma_start3A_50 = arith.constant 0 : i32
        %dma_start3A_51 = tpu.memref_slice %arg6[%add3A_45, %dma_start3A_50] : memref<10016x128xf32, #tpu.memory_space<vmem_shared>> -> memref<112x128xf32, #tpu.memory_space<vmem_shared>>
        %dma_start3A_52 = arith.constant 0 : i32
        %dma_start3A_53 = arith.constant 0 : i32
        %dma_start3A_54 = tpu.memref_slice %arg14[%dma_start3A_52, %dma_start3A_53] : memref<128x128xf32, #tpu.memory_space<vmem>> -> memref<112x128xf32, #tpu.memory_space<vmem>>
        tpu.enqueue_dma source(%dma_start3A_54 : memref<112x128xf32, #tpu.memory_space<vmem>>) target(%dma_start3A_51 : memref<112x128xf32, #tpu.memory_space<vmem_shared>>) target_semaphore(%run_scoped3A : memref<!tpu.dma_semaphore, #tpu.memory_space<semaphore_mem>>)
        %dma_wait3A = arith.constant 0 : i32
        %dma_wait3A_55 = arith.constant 0 : i32
        %dma_wait3A_56 = tpu.memref_slice %arg14[%dma_wait3A, %dma_wait3A_55] : memref<128x128xf32, #tpu.memory_space<vmem>> -> memref<112x128xf32, #tpu.memory_space<vmem>>
        %dma_wait3A_57 = arith.constant 0 : i32
        %dma_wait3A_58 = tpu.memref_slice %arg6[%add3A_45, %dma_wait3A_57] : memref<10016x128xf32, #tpu.memory_space<vmem_shared>> -> memref<112x128xf32, #tpu.memory_space<vmem_shared>>
        %dma_wait3A_59 = arith.constant 0 : i32
        %dma_wait3A_60 = tpu.memref_slice %arg6[%add3A_45, %dma_wait3A_59] : memref<10016x128xf32, #tpu.memory_space<vmem_shared>> -> memref<112x128xf32, #tpu.memory_space<vmem_shared>>
        %dma_wait3A_61 = arith.constant 0 : i32
        %dma_wait3A_62 = arith.constant 0 : i32
        %dma_wait3A_63 = tpu.memref_slice %arg14[%dma_wait3A_61, %dma_wait3A_62] : memref<128x128xf32, #tpu.memory_space<vmem>> -> memref<112x128xf32, #tpu.memory_space<vmem>>
        tpu.wait_dma2 semaphore(%run_scoped3A : memref<!tpu.dma_semaphore, #tpu.memory_space<semaphore_mem>>) src(%dma_wait3A_63 : memref<112x128xf32, #tpu.memory_space<vmem>>) dst(%dma_wait3A_60 : memref<112x128xf32, #tpu.memory_space<vmem_shared>>)
        tpu.yield
      }) : () -> ()
    } else {
    }
    %eq3A = arith.constant 15 : i32
    %eq3A_15 = arith.cmpi eq, %arg1, %eq3A : i32
    %convert_element_type3A_16 = arith.extui %eq3A_15 : i1 to i32
    %cond3A_17 = arith.constant 0 : i32
    %cond3A_18 = arith.cmpi ne, %convert_element_type3A_16, %cond3A_17 : i32
    scf.if %cond3A_18 {
      "tpu.region"() ({
        %run_scoped3A = tpu.sem_alloc : memref<!tpu.dma_semaphore, #tpu.memory_space<semaphore_mem>>
        %dma_start3A = arith.constant 9360 : i32
        %dma_start3A_36 = arith.constant 0 : i32
        %dma_start3A_37 = tpu.memref_slice %arg6[%dma_start3A, %dma_start3A_36] : memref<10016x128xf32, #tpu.memory_space<vmem_shared>> -> memref<128x128xf32, #tpu.memory_space<vmem_shared>>
        %dma_start3A_38 = arith.constant 9360 : i32
        %dma_start3A_39 = arith.constant 0 : i32
        %dma_start3A_40 = tpu.memref_slice %arg6[%dma_start3A_38, %dma_start3A_39] : memref<10016x128xf32, #tpu.memory_space<vmem_shared>> -> memref<128x128xf32, #tpu.memory_space<vmem_shared>>
        tpu.enqueue_dma source(%arg14 : memref<128x128xf32, #tpu.memory_space<vmem>>) target(%dma_start3A_40 : memref<128x128xf32, #tpu.memory_space<vmem_shared>>) target_semaphore(%run_scoped3A : memref<!tpu.dma_semaphore, #tpu.memory_space<semaphore_mem>>)
        %dma_wait3A = arith.constant 9360 : i32
        %dma_wait3A_41 = arith.constant 0 : i32
        %dma_wait3A_42 = tpu.memref_slice %arg6[%dma_wait3A, %dma_wait3A_41] : memref<10016x128xf32, #tpu.memory_space<vmem_shared>> -> memref<128x128xf32, #tpu.memory_space<vmem_shared>>
        %dma_wait3A_43 = arith.constant 9360 : i32
        %dma_wait3A_44 = arith.constant 0 : i32
        %dma_wait3A_45 = tpu.memref_slice %arg6[%dma_wait3A_43, %dma_wait3A_44] : memref<10016x128xf32, #tpu.memory_space<vmem_shared>> -> memref<128x128xf32, #tpu.memory_space<vmem_shared>>
        tpu.wait_dma2 semaphore(%run_scoped3A : memref<!tpu.dma_semaphore, #tpu.memory_space<semaphore_mem>>) src(%arg14 : memref<128x128xf32, #tpu.memory_space<vmem>>) dst(%dma_wait3A_45 : memref<128x128xf32, #tpu.memory_space<vmem_shared>>)
        tpu.yield
      }) : () -> ()
      "tpu.region"() ({
        %run_scoped3A = tpu.sem_alloc : memref<!tpu.dma_semaphore, #tpu.memory_space<semaphore_mem>>
        %dma_start3A = arith.constant 9488 : i32
        %dma_start3A_36 = arith.constant 0 : i32
        %dma_start3A_37 = tpu.memref_slice %arg6[%dma_start3A, %dma_start3A_36] : memref<10016x128xf32, #tpu.memory_space<vmem_shared>> -> memref<128x128xf32, #tpu.memory_space<vmem_shared>>
        %dma_start3A_38 = arith.constant 9488 : i32
        %dma_start3A_39 = arith.constant 0 : i32
        %dma_start3A_40 = tpu.memref_slice %arg6[%dma_start3A_38, %dma_start3A_39] : memref<10016x128xf32, #tpu.memory_space<vmem_shared>> -> memref<128x128xf32, #tpu.memory_space<vmem_shared>>
        tpu.enqueue_dma source(%arg14 : memref<128x128xf32, #tpu.memory_space<vmem>>) target(%dma_start3A_40 : memref<128x128xf32, #tpu.memory_space<vmem_shared>>) target_semaphore(%run_scoped3A : memref<!tpu.dma_semaphore, #tpu.memory_space<semaphore_mem>>)
        %dma_wait3A = arith.constant 9488 : i32
        %dma_wait3A_41 = arith.constant 0 : i32
        %dma_wait3A_42 = tpu.memref_slice %arg6[%dma_wait3A, %dma_wait3A_41] : memref<10016x128xf32, #tpu.memory_space<vmem_shared>> -> memref<128x128xf32, #tpu.memory_space<vmem_shared>>
        %dma_wait3A_43 = arith.constant 9488 : i32
        %dma_wait3A_44 = arith.constant 0 : i32
        %dma_wait3A_45 = tpu.memref_slice %arg6[%dma_wait3A_43, %dma_wait3A_44] : memref<10016x128xf32, #tpu.memory_space<vmem_shared>> -> memref<128x128xf32, #tpu.memory_space<vmem_shared>>
        tpu.wait_dma2 semaphore(%run_scoped3A : memref<!tpu.dma_semaphore, #tpu.memory_space<semaphore_mem>>) src(%arg14 : memref<128x128xf32, #tpu.memory_space<vmem>>) dst(%dma_wait3A_45 : memref<128x128xf32, #tpu.memory_space<vmem_shared>>)
        tpu.yield
      }) : () -> ()
      "tpu.region"() ({
        %run_scoped3A = tpu.sem_alloc : memref<!tpu.dma_semaphore, #tpu.memory_space<semaphore_mem>>
        %dma_start3A = arith.constant 9616 : i32
        %dma_start3A_36 = arith.constant 0 : i32
        %dma_start3A_37 = tpu.memref_slice %arg6[%dma_start3A, %dma_start3A_36] : memref<10016x128xf32, #tpu.memory_space<vmem_shared>> -> memref<128x128xf32, #tpu.memory_space<vmem_shared>>
        %dma_start3A_38 = arith.constant 9616 : i32
        %dma_start3A_39 = arith.constant 0 : i32
        %dma_start3A_40 = tpu.memref_slice %arg6[%dma_start3A_38, %dma_start3A_39] : memref<10016x128xf32, #tpu.memory_space<vmem_shared>> -> memref<128x128xf32, #tpu.memory_space<vmem_shared>>
        tpu.enqueue_dma source(%arg14 : memref<128x128xf32, #tpu.memory_space<vmem>>) target(%dma_start3A_40 : memref<128x128xf32, #tpu.memory_space<vmem_shared>>) target_semaphore(%run_scoped3A : memref<!tpu.dma_semaphore, #tpu.memory_space<semaphore_mem>>)
        %dma_wait3A = arith.constant 9616 : i32
        %dma_wait3A_41 = arith.constant 0 : i32
        %dma_wait3A_42 = tpu.memref_slice %arg6[%dma_wait3A, %dma_wait3A_41] : memref<10016x128xf32, #tpu.memory_space<vmem_shared>> -> memref<128x128xf32, #tpu.memory_space<vmem_shared>>
        %dma_wait3A_43 = arith.constant 9616 : i32
        %dma_wait3A_44 = arith.constant 0 : i32
        %dma_wait3A_45 = tpu.memref_slice %arg6[%dma_wait3A_43, %dma_wait3A_44] : memref<10016x128xf32, #tpu.memory_space<vmem_shared>> -> memref<128x128xf32, #tpu.memory_space<vmem_shared>>
        tpu.wait_dma2 semaphore(%run_scoped3A : memref<!tpu.dma_semaphore, #tpu.memory_space<semaphore_mem>>) src(%arg14 : memref<128x128xf32, #tpu.memory_space<vmem>>) dst(%dma_wait3A_45 : memref<128x128xf32, #tpu.memory_space<vmem_shared>>)
        tpu.yield
      }) : () -> ()
      "tpu.region"() ({
        %run_scoped3A = tpu.sem_alloc : memref<!tpu.dma_semaphore, #tpu.memory_space<semaphore_mem>>
        %dma_start3A = arith.constant 9744 : i32
        %dma_start3A_36 = arith.constant 0 : i32
        %dma_start3A_37 = tpu.memref_slice %arg6[%dma_start3A, %dma_start3A_36] : memref<10016x128xf32, #tpu.memory_space<vmem_shared>> -> memref<128x128xf32, #tpu.memory_space<vmem_shared>>
        %dma_start3A_38 = arith.constant 9744 : i32
        %dma_start3A_39 = arith.constant 0 : i32
        %dma_start3A_40 = tpu.memref_slice %arg6[%dma_start3A_38, %dma_start3A_39] : memref<10016x128xf32, #tpu.memory_space<vmem_shared>> -> memref<128x128xf32, #tpu.memory_space<vmem_shared>>
        tpu.enqueue_dma source(%arg14 : memref<128x128xf32, #tpu.memory_space<vmem>>) target(%dma_start3A_40 : memref<128x128xf32, #tpu.memory_space<vmem_shared>>) target_semaphore(%run_scoped3A : memref<!tpu.dma_semaphore, #tpu.memory_space<semaphore_mem>>)
        %dma_wait3A = arith.constant 9744 : i32
        %dma_wait3A_41 = arith.constant 0 : i32
        %dma_wait3A_42 = tpu.memref_slice %arg6[%dma_wait3A, %dma_wait3A_41] : memref<10016x128xf32, #tpu.memory_space<vmem_shared>> -> memref<128x128xf32, #tpu.memory_space<vmem_shared>>
        %dma_wait3A_43 = arith.constant 9744 : i32
        %dma_wait3A_44 = arith.constant 0 : i32
        %dma_wait3A_45 = tpu.memref_slice %arg6[%dma_wait3A_43, %dma_wait3A_44] : memref<10016x128xf32, #tpu.memory_space<vmem_shared>> -> memref<128x128xf32, #tpu.memory_space<vmem_shared>>
        tpu.wait_dma2 semaphore(%run_scoped3A : memref<!tpu.dma_semaphore, #tpu.memory_space<semaphore_mem>>) src(%arg14 : memref<128x128xf32, #tpu.memory_space<vmem>>) dst(%dma_wait3A_45 : memref<128x128xf32, #tpu.memory_space<vmem_shared>>)
        tpu.yield
      }) : () -> ()
      "tpu.region"() ({
        %run_scoped3A = tpu.sem_alloc : memref<!tpu.dma_semaphore, #tpu.memory_space<semaphore_mem>>
        %dma_start3A = arith.constant 9872 : i32
        %dma_start3A_36 = arith.constant 0 : i32
        %dma_start3A_37 = tpu.memref_slice %arg6[%dma_start3A, %dma_start3A_36] : memref<10016x128xf32, #tpu.memory_space<vmem_shared>> -> memref<128x128xf32, #tpu.memory_space<vmem_shared>>
        %dma_start3A_38 = arith.constant 9872 : i32
        %dma_start3A_39 = arith.constant 0 : i32
        %dma_start3A_40 = tpu.memref_slice %arg6[%dma_start3A_38, %dma_start3A_39] : memref<10016x128xf32, #tpu.memory_space<vmem_shared>> -> memref<128x128xf32, #tpu.memory_space<vmem_shared>>
        tpu.enqueue_dma source(%arg14 : memref<128x128xf32, #tpu.memory_space<vmem>>) target(%dma_start3A_40 : memref<128x128xf32, #tpu.memory_space<vmem_shared>>) target_semaphore(%run_scoped3A : memref<!tpu.dma_semaphore, #tpu.memory_space<semaphore_mem>>)
        %dma_wait3A = arith.constant 9872 : i32
        %dma_wait3A_41 = arith.constant 0 : i32
        %dma_wait3A_42 = tpu.memref_slice %arg6[%dma_wait3A, %dma_wait3A_41] : memref<10016x128xf32, #tpu.memory_space<vmem_shared>> -> memref<128x128xf32, #tpu.memory_space<vmem_shared>>
        %dma_wait3A_43 = arith.constant 9872 : i32
        %dma_wait3A_44 = arith.constant 0 : i32
        %dma_wait3A_45 = tpu.memref_slice %arg6[%dma_wait3A_43, %dma_wait3A_44] : memref<10016x128xf32, #tpu.memory_space<vmem_shared>> -> memref<128x128xf32, #tpu.memory_space<vmem_shared>>
        tpu.wait_dma2 semaphore(%run_scoped3A : memref<!tpu.dma_semaphore, #tpu.memory_space<semaphore_mem>>) src(%arg14 : memref<128x128xf32, #tpu.memory_space<vmem>>) dst(%dma_wait3A_45 : memref<128x128xf32, #tpu.memory_space<vmem_shared>>)
        tpu.yield
      }) : () -> ()
      "tpu.region"() ({
        %run_scoped3A = tpu.sem_alloc : memref<!tpu.dma_semaphore, #tpu.memory_space<semaphore_mem>>
        %dma_start3A = arith.constant 0 : i32
        %dma_start3A_36 = arith.constant 0 : i32
        %dma_start3A_37 = tpu.memref_slice %arg14[%dma_start3A, %dma_start3A_36] : memref<128x128xf32, #tpu.memory_space<vmem>> -> memref<16x128xf32, #tpu.memory_space<vmem>>
        %dma_start3A_38 = arith.constant 10000 : i32
        %dma_start3A_39 = arith.constant 0 : i32
        %dma_start3A_40 = tpu.memref_slice %arg6[%dma_start3A_38, %dma_start3A_39] : memref<10016x128xf32, #tpu.memory_space<vmem_shared>> -> memref<16x128xf32, #tpu.memory_space<vmem_shared>>
        %dma_start3A_41 = arith.constant 10000 : i32
        %dma_start3A_42 = arith.constant 0 : i32
        %dma_start3A_43 = tpu.memref_slice %arg6[%dma_start3A_41, %dma_start3A_42] : memref<10016x128xf32, #tpu.memory_space<vmem_shared>> -> memref<16x128xf32, #tpu.memory_space<vmem_shared>>
        %dma_start3A_44 = arith.constant 0 : i32
        %dma_start3A_45 = arith.constant 0 : i32
        %dma_start3A_46 = tpu.memref_slice %arg14[%dma_start3A_44, %dma_start3A_45] : memref<128x128xf32, #tpu.memory_space<vmem>> -> memref<16x128xf32, #tpu.memory_space<vmem>>
        tpu.enqueue_dma source(%dma_start3A_46 : memref<16x128xf32, #tpu.memory_space<vmem>>) target(%dma_start3A_43 : memref<16x128xf32, #tpu.memory_space<vmem_shared>>) target_semaphore(%run_scoped3A : memref<!tpu.dma_semaphore, #tpu.memory_space<semaphore_mem>>)
        %dma_wait3A = arith.constant 0 : i32
        %dma_wait3A_47 = arith.constant 0 : i32
        %dma_wait3A_48 = tpu.memref_slice %arg14[%dma_wait3A, %dma_wait3A_47] : memref<128x128xf32, #tpu.memory_space<vmem>> -> memref<16x128xf32, #tpu.memory_space<vmem>>
        %dma_wait3A_49 = arith.constant 10000 : i32
        %dma_wait3A_50 = arith.constant 0 : i32
        %dma_wait3A_51 = tpu.memref_slice %arg6[%dma_wait3A_49, %dma_wait3A_50] : memref<10016x128xf32, #tpu.memory_space<vmem_shared>> -> memref<16x128xf32, #tpu.memory_space<vmem_shared>>
        %dma_wait3A_52 = arith.constant 10000 : i32
        %dma_wait3A_53 = arith.constant 0 : i32
        %dma_wait3A_54 = tpu.memref_slice %arg6[%dma_wait3A_52, %dma_wait3A_53] : memref<10016x128xf32, #tpu.memory_space<vmem_shared>> -> memref<16x128xf32, #tpu.memory_space<vmem_shared>>
        %dma_wait3A_55 = arith.constant 0 : i32
        %dma_wait3A_56 = arith.constant 0 : i32
        %dma_wait3A_57 = tpu.memref_slice %arg14[%dma_wait3A_55, %dma_wait3A_56] : memref<128x128xf32, #tpu.memory_space<vmem>> -> memref<16x128xf32, #tpu.memory_space<vmem>>
        tpu.wait_dma2 semaphore(%run_scoped3A : memref<!tpu.dma_semaphore, #tpu.memory_space<semaphore_mem>>) src(%dma_wait3A_57 : memref<16x128xf32, #tpu.memory_space<vmem>>) dst(%dma_wait3A_54 : memref<16x128xf32, #tpu.memory_space<vmem_shared>>)
        tpu.yield
      }) : () -> ()
    } else {
    }
    %barrier3A = arith.constant 0 : index
    tpu.barrier barrier_id(%barrier3A)
    %scan3A_19 = arith.constant 0 : i32
    %scan3A_20 = arith.constant 0 : i32
    %scan3A_21 = arith.constant 80 : i32
    %scan3A_22 = arith.addi %scan3A_20, %scan3A_21 : i32
    %scan3A_23 = arith.constant 1 : i32
    scf.for %scan3A_36 = %scan3A_20 to %scan3A_22 step %scan3A_23  : i32 {
      %mul3A_37 = arith.constant 128 : i32
      %mul3A_38 = arith.muli %scan3A_36, %mul3A_37 : i32
      %add3A_39 = arith.addi %mul3A_4, %mul3A_38 : i32
      "tpu.region"() ({
        %run_scoped3A = tpu.sem_alloc : memref<!tpu.dma_semaphore, #tpu.memory_space<semaphore_mem>>
        %dma_start3A_47 = tpu.memref_slice %arg3[%add3A_39] : memref<327680xi32, #tpu.memory_space<hbm>> -> memref<128xi32, #tpu.memory_space<hbm>>
        %dma_start3A_48 = tpu.memref_slice %arg3[%add3A_39] : memref<327680xi32, #tpu.memory_space<hbm>> -> memref<128xi32, #tpu.memory_space<hbm>>
        tpu.enqueue_dma source(%dma_start3A_48 : memref<128xi32, #tpu.memory_space<hbm>>) target(%arg7 : memref<128xi32, #tpu.memory_space<vmem>>) target_semaphore(%run_scoped3A : memref<!tpu.dma_semaphore, #tpu.memory_space<semaphore_mem>>)
        %dma_wait3A_49 = tpu.memref_slice %arg3[%add3A_39] : memref<327680xi32, #tpu.memory_space<hbm>> -> memref<128xi32, #tpu.memory_space<hbm>>
        %dma_wait3A_50 = tpu.memref_slice %arg3[%add3A_39] : memref<327680xi32, #tpu.memory_space<hbm>> -> memref<128xi32, #tpu.memory_space<hbm>>
        tpu.wait_dma2 semaphore(%run_scoped3A : memref<!tpu.dma_semaphore, #tpu.memory_space<semaphore_mem>>) src(%dma_wait3A_50 : memref<128xi32, #tpu.memory_space<hbm>>) dst(%arg7 : memref<128xi32, #tpu.memory_space<vmem>>)
        tpu.yield
      }) : () -> ()
      %dma_start3A = arith.constant 0 : i32
      %dma_start3A_40 = arith.constant 0 : i32
      %dma_start3A_41 = tpu.memref_slice %arg2[%dma_start3A, %dma_start3A_40] : memref<10000x128xf32, #tpu.memory_space<hbm>> -> memref<10000x128xf32, #tpu.memory_space<hbm>>
      tpu.enqueue_indirect_dma source(%dma_start3A_41 : memref<10000x128xf32, #tpu.memory_space<hbm>>) target(%arg14 : memref<128x128xf32, #tpu.memory_space<vmem>>) offsets(%arg7 : memref<128xi32, #tpu.memory_space<vmem>>) semaphore(%arg24 : memref<!tpu.dma_semaphore, #tpu.memory_space<semaphore_mem>>)
      %dma_wait3A = arith.constant 0 : i32
      %dma_wait3A_42 = arith.constant 0 : i32
      %dma_wait3A_43 = tpu.memref_slice %arg2[%dma_wait3A, %dma_wait3A_42] : memref<10000x128xf32, #tpu.memory_space<hbm>> -> memref<10000x128xf32, #tpu.memory_space<hbm>>
      tpu.wait_indirect_dma semaphore(%arg24 : memref<!tpu.dma_semaphore, #tpu.memory_space<semaphore_mem>>) src(%dma_wait3A_43 : memref<10000x128xf32, #tpu.memory_space<hbm>>) dst(%arg14 : memref<128x128xf32, #tpu.memory_space<vmem>>)
      %mul3A_44 = arith.constant 128 : i32
      %mul3A_45 = arith.muli %scan3A_36, %mul3A_44 : i32
      %add3A_46 = arith.addi %mul3A_4, %mul3A_45 : i32
      "tpu.region"() ({
        %run_scoped3A = tpu.sem_alloc : memref<!tpu.dma_semaphore, #tpu.memory_space<semaphore_mem>>
        %dma_start3A_47 = tpu.memref_slice %arg4[%add3A_46] : memref<327680xi32, #tpu.memory_space<hbm>> -> memref<128xi32, #tpu.memory_space<hbm>>
        %dma_start3A_48 = tpu.memref_slice %arg4[%add3A_46] : memref<327680xi32, #tpu.memory_space<hbm>> -> memref<128xi32, #tpu.memory_space<hbm>>
        tpu.enqueue_dma source(%dma_start3A_48 : memref<128xi32, #tpu.memory_space<hbm>>) target(%arg10 : memref<128xi32, #tpu.memory_space<vmem>>) target_semaphore(%run_scoped3A : memref<!tpu.dma_semaphore, #tpu.memory_space<semaphore_mem>>)
        %dma_wait3A_49 = tpu.memref_slice %arg4[%add3A_46] : memref<327680xi32, #tpu.memory_space<hbm>> -> memref<128xi32, #tpu.memory_space<hbm>>
        %dma_wait3A_50 = tpu.memref_slice %arg4[%add3A_46] : memref<327680xi32, #tpu.memory_space<hbm>> -> memref<128xi32, #tpu.memory_space<hbm>>
        tpu.wait_dma2 semaphore(%run_scoped3A : memref<!tpu.dma_semaphore, #tpu.memory_space<semaphore_mem>>) src(%dma_wait3A_50 : memref<128xi32, #tpu.memory_space<hbm>>) dst(%arg10 : memref<128xi32, #tpu.memory_space<vmem>>)
        tpu.yield
      }) : () -> ()
      "tpu.region"() ({
        %run_scoped3A = tpu.sem_alloc : memref<!tpu.dma_semaphore, #tpu.memory_space<semaphore_mem>>
        %dma_start3A_47 = arith.constant 0 : i32
        %dma_start3A_48 = arith.constant 0 : i32
        %dma_start3A_49 = tpu.memref_slice %arg6[%dma_start3A_47, %dma_start3A_48] : memref<10016x128xf32, #tpu.memory_space<vmem_shared>> -> memref<10016x128xf32, #tpu.memory_space<vmem_shared>>
        tpu.enqueue_indirect_dma source(%arg14 : memref<128x128xf32, #tpu.memory_space<vmem>>) target(%dma_start3A_49 : memref<10016x128xf32, #tpu.memory_space<vmem_shared>>) offsets(%arg10 : memref<128xi32, #tpu.memory_space<vmem>>) semaphore(%run_scoped3A : memref<!tpu.dma_semaphore, #tpu.memory_space<semaphore_mem>>) {add = true}
        %dma_wait3A_50 = arith.constant 0 : i32
        %dma_wait3A_51 = arith.constant 0 : i32
        %dma_wait3A_52 = tpu.memref_slice %arg6[%dma_wait3A_50, %dma_wait3A_51] : memref<10016x128xf32, #tpu.memory_space<vmem_shared>> -> memref<10016x128xf32, #tpu.memory_space<vmem_shared>>
        tpu.wait_indirect_dma semaphore(%run_scoped3A : memref<!tpu.dma_semaphore, #tpu.memory_space<semaphore_mem>>) src(%arg14 : memref<128x128xf32, #tpu.memory_space<vmem>>) dst(%dma_wait3A_52 : memref<10016x128xf32, #tpu.memory_space<vmem_shared>>)
        tpu.yield
      }) : () -> ()
    }
    %scan3A_24 = arith.constant 80 : i32
    %barrier3A_25 = arith.constant 0 : index
    tpu.barrier barrier_id(%barrier3A_25)
    %lt3A_26 = arith.constant 15 : i32
    %lt3A_27 = arith.cmpi slt, %arg1, %lt3A_26 : i32
    %convert_element_type3A_28 = arith.extui %lt3A_27 : i1 to i32
    %cond3A_29 = arith.constant 0 : i32
    %cond3A_30 = arith.cmpi ne, %convert_element_type3A_28, %cond3A_29 : i32
    scf.if %cond3A_30 {
      "tpu.region"() ({
        %run_scoped3A = tpu.sem_alloc : memref<!tpu.dma_semaphore, #tpu.memory_space<semaphore_mem>>
        %dma_start3A = arith.constant 0 : i32
        %dma_start3A_36 = tpu.memref_slice %arg5[%arg0, %mul3A_12, %dma_start3A] : memref<2x10000x128xf32, #tpu.memory_space<hbm>> -> memref<1x624x128xf32, #tpu.memory_space<hbm>>
        %dma_start3A_37 = tpu.memref_squeeze %dma_start3A_36 : memref<1x624x128xf32, #tpu.memory_space<hbm>> -> memref<624x128xf32, #tpu.memory_space<hbm>>
        %dma_start3A_38 = arith.constant 0 : i32
        %dma_start3A_39 = tpu.memref_slice %arg6[%mul3A_12, %dma_start3A_38] : memref<10016x128xf32, #tpu.memory_space<vmem_shared>> -> memref<624x128xf32, #tpu.memory_space<vmem_shared>>
        tpu.enqueue_dma source(%dma_start3A_39 : memref<624x128xf32, #tpu.memory_space<vmem_shared>>) target(%dma_start3A_37 : memref<624x128xf32, #tpu.memory_space<hbm>>) target_semaphore(%run_scoped3A : memref<!tpu.dma_semaphore, #tpu.memory_space<semaphore_mem>>)
        %dma_wait3A = arith.constant 0 : i32
        %dma_wait3A_40 = tpu.memref_slice %arg5[%arg0, %mul3A_12, %dma_wait3A] : memref<2x10000x128xf32, #tpu.memory_space<hbm>> -> memref<1x624x128xf32, #tpu.memory_space<hbm>>
        %dma_wait3A_41 = tpu.memref_squeeze %dma_wait3A_40 : memref<1x624x128xf32, #tpu.memory_space<hbm>> -> memref<624x128xf32, #tpu.memory_space<hbm>>
        %dma_wait3A_42 = arith.constant 0 : i32
        %dma_wait3A_43 = tpu.memref_slice %arg6[%mul3A_12, %dma_wait3A_42] : memref<10016x128xf32, #tpu.memory_space<vmem_shared>> -> memref<624x128xf32, #tpu.memory_space<vmem_shared>>
        tpu.wait_dma2 semaphore(%run_scoped3A : memref<!tpu.dma_semaphore, #tpu.memory_space<semaphore_mem>>) src(%dma_wait3A_43 : memref<624x128xf32, #tpu.memory_space<vmem_shared>>) dst(%dma_wait3A_41 : memref<624x128xf32, #tpu.memory_space<hbm>>)
        tpu.yield
      }) : () -> ()
    } else {
    }
    %eq3A_31 = arith.constant 15 : i32
    %eq3A_32 = arith.cmpi eq, %arg1, %eq3A_31 : i32
    %convert_element_type3A_33 = arith.extui %eq3A_32 : i1 to i32
    %cond3A_34 = arith.constant 0 : i32
    %cond3A_35 = arith.cmpi ne, %convert_element_type3A_33, %cond3A_34 : i32
    scf.if %cond3A_35 {
      "tpu.region"() ({
        %run_scoped3A = tpu.sem_alloc : memref<!tpu.dma_semaphore, #tpu.memory_space<semaphore_mem>>
        %dma_start3A = arith.constant 9360 : i32
        %dma_start3A_36 = arith.constant 0 : i32
        %dma_start3A_37 = tpu.memref_slice %arg5[%arg0, %dma_start3A, %dma_start3A_36] : memref<2x10000x128xf32, #tpu.memory_space<hbm>> -> memref<1x640x128xf32, #tpu.memory_space<hbm>>
        %dma_start3A_38 = tpu.memref_squeeze %dma_start3A_37 : memref<1x640x128xf32, #tpu.memory_space<hbm>> -> memref<640x128xf32, #tpu.memory_space<hbm>>
        %dma_start3A_39 = arith.constant 9360 : i32
        %dma_start3A_40 = arith.constant 0 : i32
        %dma_start3A_41 = tpu.memref_slice %arg6[%dma_start3A_39, %dma_start3A_40] : memref<10016x128xf32, #tpu.memory_space<vmem_shared>> -> memref<640x128xf32, #tpu.memory_space<vmem_shared>>
        tpu.enqueue_dma source(%dma_start3A_41 : memref<640x128xf32, #tpu.memory_space<vmem_shared>>) target(%dma_start3A_38 : memref<640x128xf32, #tpu.memory_space<hbm>>) target_semaphore(%run_scoped3A : memref<!tpu.dma_semaphore, #tpu.memory_space<semaphore_mem>>)
        %dma_wait3A = arith.constant 9360 : i32
        %dma_wait3A_42 = arith.constant 0 : i32
        %dma_wait3A_43 = tpu.memref_slice %arg5[%arg0, %dma_wait3A, %dma_wait3A_42] : memref<2x10000x128xf32, #tpu.memory_space<hbm>> -> memref<1x640x128xf32, #tpu.memory_space<hbm>>
        %dma_wait3A_44 = tpu.memref_squeeze %dma_wait3A_43 : memref<1x640x128xf32, #tpu.memory_space<hbm>> -> memref<640x128xf32, #tpu.memory_space<hbm>>
        %dma_wait3A_45 = arith.constant 9360 : i32
        %dma_wait3A_46 = arith.constant 0 : i32
        %dma_wait3A_47 = tpu.memref_slice %arg6[%dma_wait3A_45, %dma_wait3A_46] : memref<10016x128xf32, #tpu.memory_space<vmem_shared>> -> memref<640x128xf32, #tpu.memory_space<vmem_shared>>
        tpu.wait_dma2 semaphore(%run_scoped3A : memref<!tpu.dma_semaphore, #tpu.memory_space<semaphore_mem>>) src(%dma_wait3A_47 : memref<640x128xf32, #tpu.memory_space<vmem_shared>>) dst(%dma_wait3A_44 : memref<640x128xf32, #tpu.memory_space<hbm>>)
        tpu.yield
      }) : () -> ()
    } else {
    }
    return
  }
}

module attributes {stable_mosaic.version = 14 : i64} {
  func.func @_tc_dense_body(%arg0: i32, %arg1: memref<1000x128xf32, #tpu.memory_space<vmem>>, %arg2: memref<1000x128xf32, #tpu.memory_space<vmem>>, %arg3: memref<1000x128xf32, #tpu.memory_space<vmem>>, %arg4: memref<128x128xf32, #tpu.memory_space<vmem>>, %arg5: memref<128x128xf32, #tpu.memory_space<vmem>>, %arg6: memref<1x128xf32, #tpu.memory_space<vmem>>, %arg7: memref<1000x128xf32, #tpu.memory_space<vmem>>) attributes {dimension_semantics = [#tpu.dimension_semantics<arbitrary>], iteration_bounds = array<i64: 10>, scalar_prefetch = 0 : i64, scratch_operands = 0 : i64, tpu.core_type = #tpu.core_type<tc>, window_params = [{transform_indices = @transform_0, window_bounds = array<i64: 1000, 128>}, {transform_indices = @transform_1, window_bounds = array<i64: 1000, 128>}, {transform_indices = @transform_2, window_bounds = array<i64: 1000, 128>}, {pipeline_mode = #tpu.pipeline_mode<synchronous>, transform_indices = @transform_3, window_bounds = array<i64: 128, 128>}, {pipeline_mode = #tpu.pipeline_mode<synchronous>, transform_indices = @transform_4, window_bounds = array<i64: 128, 128>}, {pipeline_mode = #tpu.pipeline_mode<synchronous>, transform_indices = @transform_5, window_bounds = array<i64: 1, 128>}, {transform_indices = @transform_6, window_bounds = array<i64: 1000, 128>}]} {
    %get3A = arith.constant 0 : index
    %get3A_0 = arith.constant 0 : index
    %get3A_1 = vector.load %arg1[%get3A, %get3A_0] : memref<1000x128xf32, #tpu.memory_space<vmem>>, vector<1000x128xf32>
    %get3A_2 = arith.constant 0 : index
    %get3A_3 = arith.constant 0 : index
    %get3A_4 = vector.load %arg2[%get3A_2, %get3A_3] : memref<1000x128xf32, #tpu.memory_space<vmem>>, vector<1000x128xf32>
    %add3A = arith.addf %get3A_1, %get3A_4 : vector<1000x128xf32>
    %get3A_5 = arith.constant 0 : index
    %get3A_6 = arith.constant 0 : index
    %get3A_7 = vector.load %arg4[%get3A_5, %get3A_6] : memref<128x128xf32, #tpu.memory_space<vmem>>, vector<128x128xf32>
    %dot_general3A = arith.constant dense<0.000000e+00> : vector<1000x128xf32>
    %dot_general3A_8 = tpu.matmul %add3A, %get3A_7, %dot_general3A {dimension_numbers = #tpu.dot_dimension_numbers<[1], [0], [0], [1], [0, 0, 1, 1], [], []>, transpose_lhs_hint = false} : vector<1000x128xf32>, vector<128x128xf32>, vector<1000x128xf32> -> vector<1000x128xf32>
    %get3A_9 = arith.constant 0 : index
    %get3A_10 = arith.constant 0 : index
    %get3A_11 = vector.load %arg3[%get3A_9, %get3A_10] : memref<1000x128xf32, #tpu.memory_space<vmem>>, vector<1000x128xf32>
    %get3A_12 = arith.constant 0 : index
    %get3A_13 = arith.constant 0 : index
    %get3A_14 = vector.load %arg5[%get3A_12, %get3A_13] : memref<128x128xf32, #tpu.memory_space<vmem>>, vector<128x128xf32>
    %dot_general3A_15 = arith.constant dense<0.000000e+00> : vector<1000x128xf32>
    %dot_general3A_16 = tpu.matmul %get3A_11, %get3A_14, %dot_general3A_15 {dimension_numbers = #tpu.dot_dimension_numbers<[1], [0], [0], [1], [0, 0, 1, 1], [], []>, transpose_lhs_hint = false} : vector<1000x128xf32>, vector<128x128xf32>, vector<1000x128xf32> -> vector<1000x128xf32>
    %add3A_17 = arith.addf %dot_general3A_8, %dot_general3A_16 : vector<1000x128xf32>
    %get3A_18 = arith.constant 0 : index
    %get3A_19 = arith.constant 0 : index
    %get3A_20 = vector.load %arg6[%get3A_18, %get3A_19] : memref<1x128xf32, #tpu.memory_space<vmem>>, vector<1x128xf32>
    %add3A_21 = vector.broadcast %get3A_20 : vector<1x128xf32> to vector<1000x128xf32>
    %add3A_22 = arith.addf %add3A_17, %add3A_21 : vector<1000x128xf32>
    %max3A = arith.constant 0.000000e+00 : f32
    %max3A_23 = vector.broadcast %max3A : f32 to vector<1000x128xf32>
    %max3A_24 = arith.maximumf %add3A_22, %max3A_23 : vector<1000x128xf32>
    %swap3A = arith.constant 0 : index
    %swap3A_25 = arith.constant 0 : index
    %swap3A_26 = vector.load %arg7[%swap3A, %swap3A_25] : memref<1000x128xf32, #tpu.memory_space<vmem>>, vector<1000x128xf32>
    tpu.vector_store %arg7[%swap3A, %swap3A_25], %max3A_24 {strides = array<i32>} : memref<1000x128xf32, #tpu.memory_space<vmem>>, vector<1000x128xf32>,
    return
  }
  func.func @transform_0(%arg0: i32) -> (i32, i32) {
    %c0_i32 = arith.constant 0 : i32
    %c0_i32_0 = arith.constant 0 : i32
    return %arg0, %c0_i32 : i32, i32
  }
  func.func @transform_1(%arg0: i32) -> (i32, i32) {
    %c0_i32 = arith.constant 0 : i32
    %c0_i32_0 = arith.constant 0 : i32
    return %arg0, %c0_i32 : i32, i32
  }
  func.func @transform_2(%arg0: i32) -> (i32, i32) {
    %c0_i32 = arith.constant 0 : i32
    %c0_i32_0 = arith.constant 0 : i32
    return %arg0, %c0_i32 : i32, i32
  }
  func.func @transform_3(%arg0: i32) -> (i32, i32) {
    %c0_i32 = arith.constant 0 : i32
    %c0_i32_0 = arith.constant 0 : i32
    %c0_i32_1 = arith.constant 0 : i32
    return %c0_i32, %c0_i32_0 : i32, i32
  }
  func.func @transform_4(%arg0: i32) -> (i32, i32) {
    %c0_i32 = arith.constant 0 : i32
    %c0_i32_0 = arith.constant 0 : i32
    %c0_i32_1 = arith.constant 0 : i32
    return %c0_i32, %c0_i32_0 : i32, i32
  }
  func.func @transform_5(%arg0: i32) -> (i32, i32) {
    %c0_i32 = arith.constant 0 : i32
    %c0_i32_0 = arith.constant 0 : i32
    %c0_i32_1 = arith.constant 0 : i32
    return %c0_i32, %c0_i32_0 : i32, i32
  }
  func.func @transform_6(%arg0: i32) -> (i32, i32) {
    %c0_i32 = arith.constant 0 : i32
    %c0_i32_0 = arith.constant 0 : i32
    return %arg0, %c0_i32 : i32, i32
  }
}

module attributes {stable_mosaic.version = 14 : i64} {
  func.func @_tc_out_body(%arg0: i32, %arg1: memref<1000x128xf32, #tpu.memory_space<vmem>>, %arg2: memref<1000x128xf32, #tpu.memory_space<vmem>>, %arg3: memref<1000x128xf32, #tpu.memory_space<vmem>>, %arg4: memref<128x1xf32, #tpu.memory_space<vmem>>, %arg5: memref<128x1xf32, #tpu.memory_space<vmem>>, %arg6: memref<1x1xf32, #tpu.memory_space<vmem>>, %arg7: memref<1000x1xf32, #tpu.memory_space<vmem>>) attributes {dimension_semantics = [#tpu.dimension_semantics<arbitrary>], iteration_bounds = array<i64: 10>, scalar_prefetch = 0 : i64, scratch_operands = 0 : i64, tpu.core_type = #tpu.core_type<tc>, window_params = [{transform_indices = @transform_0, window_bounds = array<i64: 1000, 128>}, {transform_indices = @transform_1, window_bounds = array<i64: 1000, 128>}, {transform_indices = @transform_2, window_bounds = array<i64: 1000, 128>}, {pipeline_mode = #tpu.pipeline_mode<synchronous>, transform_indices = @transform_3, window_bounds = array<i64: 128, 1>}, {pipeline_mode = #tpu.pipeline_mode<synchronous>, transform_indices = @transform_4, window_bounds = array<i64: 128, 1>}, {pipeline_mode = #tpu.pipeline_mode<synchronous>, transform_indices = @transform_5, window_bounds = array<i64: 1, 1>}, {transform_indices = @transform_6, window_bounds = array<i64: 1000, 1>}]} {
    %get3A = arith.constant 0 : index
    %get3A_0 = arith.constant 0 : index
    %get3A_1 = vector.load %arg1[%get3A, %get3A_0] : memref<1000x128xf32, #tpu.memory_space<vmem>>, vector<1000x128xf32>
    %get3A_2 = arith.constant 0 : index
    %get3A_3 = arith.constant 0 : index
    %get3A_4 = vector.load %arg2[%get3A_2, %get3A_3] : memref<1000x128xf32, #tpu.memory_space<vmem>>, vector<1000x128xf32>
    %add3A = arith.addf %get3A_1, %get3A_4 : vector<1000x128xf32>
    %get3A_5 = arith.constant 0 : index
    %get3A_6 = arith.constant 0 : index
    %get3A_7 = vector.load %arg4[%get3A_5, %get3A_6] : memref<128x1xf32, #tpu.memory_space<vmem>>, vector<128x1xf32>
    %dot_general3A = arith.constant dense<0.000000e+00> : vector<1000x1xf32>
    %dot_general3A_8 = tpu.matmul %add3A, %get3A_7, %dot_general3A {dimension_numbers = #tpu.dot_dimension_numbers<[1], [0], [0], [1], [0, 0, 1, 1], [], []>, transpose_lhs_hint = false} : vector<1000x128xf32>, vector<128x1xf32>, vector<1000x1xf32> -> vector<1000x1xf32>
    %get3A_9 = arith.constant 0 : index
    %get3A_10 = arith.constant 0 : index
    %get3A_11 = vector.load %arg3[%get3A_9, %get3A_10] : memref<1000x128xf32, #tpu.memory_space<vmem>>, vector<1000x128xf32>
    %get3A_12 = arith.constant 0 : index
    %get3A_13 = arith.constant 0 : index
    %get3A_14 = vector.load %arg5[%get3A_12, %get3A_13] : memref<128x1xf32, #tpu.memory_space<vmem>>, vector<128x1xf32>
    %dot_general3A_15 = arith.constant dense<0.000000e+00> : vector<1000x1xf32>
    %dot_general3A_16 = tpu.matmul %get3A_11, %get3A_14, %dot_general3A_15 {dimension_numbers = #tpu.dot_dimension_numbers<[1], [0], [0], [1], [0, 0, 1, 1], [], []>, transpose_lhs_hint = false} : vector<1000x128xf32>, vector<128x1xf32>, vector<1000x1xf32> -> vector<1000x1xf32>
    %add3A_17 = arith.addf %dot_general3A_8, %dot_general3A_16 : vector<1000x1xf32>
    %get3A_18 = arith.constant 0 : index
    %get3A_19 = arith.constant 0 : index
    %get3A_20 = vector.load %arg6[%get3A_18, %get3A_19] : memref<1x1xf32, #tpu.memory_space<vmem>>, vector<1x1xf32>
    %add3A_21 = vector.broadcast %get3A_20 : vector<1x1xf32> to vector<1000x1xf32>
    %add3A_22 = arith.addf %add3A_17, %add3A_21 : vector<1000x1xf32>
    %logistic3A = arith.negf %add3A_22 : vector<1000x1xf32>
    %logistic3A_23 = math.exp %logistic3A : vector<1000x1xf32>
    %logistic3A_24 = arith.constant 1.000000e+00 : f32
    %logistic3A_25 = vector.broadcast %logistic3A_24 : f32 to vector<1000x1xf32>
    %logistic3A_26 = arith.addf %logistic3A_25, %logistic3A_23 : vector<1000x1xf32>
    %logistic3A_27 = arith.divf %logistic3A_25, %logistic3A_26 : vector<1000x1xf32>
    %swap3A = arith.constant 0 : index
    %swap3A_28 = arith.constant 0 : index
    %swap3A_29 = vector.load %arg7[%swap3A, %swap3A_28] : memref<1000x1xf32, #tpu.memory_space<vmem>>, vector<1000x1xf32>
    tpu.vector_store %arg7[%swap3A, %swap3A_28], %logistic3A_27 {strides = array<i32>} : memref<1000x1xf32, #tpu.memory_space<vmem>>, vector<1000x1xf32>,
    return
  }
  func.func @transform_0(%arg0: i32) -> (i32, i32) {
    %c0_i32 = arith.constant 0 : i32
    %c0_i32_0 = arith.constant 0 : i32
    return %arg0, %c0_i32 : i32, i32
  }
  func.func @transform_1(%arg0: i32) -> (i32, i32) {
    %c0_i32 = arith.constant 0 : i32
    %c0_i32_0 = arith.constant 0 : i32
    return %arg0, %c0_i32 : i32, i32
  }
  func.func @transform_2(%arg0: i32) -> (i32, i32) {
    %c0_i32 = arith.constant 0 : i32
    %c0_i32_0 = arith.constant 0 : i32
    return %arg0, %c0_i32 : i32, i32
  }
  func.func @transform_3(%arg0: i32) -> (i32, i32) {
    %c0_i32 = arith.constant 0 : i32
    %c0_i32_0 = arith.constant 0 : i32
    %c0_i32_1 = arith.constant 0 : i32
    return %c0_i32, %c0_i32_0 : i32, i32
  }
  func.func @transform_4(%arg0: i32) -> (i32, i32) {
    %c0_i32 = arith.constant 0 : i32
    %c0_i32_0 = arith.constant 0 : i32
    %c0_i32_1 = arith.constant 0 : i32
    return %c0_i32, %c0_i32_0 : i32, i32
  }
  func.func @transform_5(%arg0: i32) -> (i32, i32) {
    %c0_i32 = arith.constant 0 : i32
    %c0_i32_0 = arith.constant 0 : i32
    %c0_i32_1 = arith.constant 0 : i32
    return %c0_i32, %c0_i32_0 : i32, i32
  }
  func.func @transform_6(%arg0: i32) -> (i32, i32) {
    %c0_i32 = arith.constant 0 : i32
    %c0_i32_0 = arith.constant 0 : i32
    return %arg0, %c0_i32 : i32, i32
  }
}

</mosaic_0001>

<sc_bundles>
// kernel: kernel.6.cloned.1.call-start
scs
__scs_entry_jumppad:
0x0: {  	(pc) =	sbr.rel $0x88, $3  }
0x1: {  	(tag) =	ssettag $0x0;
	lr =	simm.s32 $0x1  }
0x2: {  	[smem:$0x3F99] =	sst lr;
	_ =	strace $0xD0000000  }
0x3: {  	_ = 	snop  }
0x4: {  	_ = 	snop  }
0x5: {  	_ = 	snop  }
0x6: {  	_ = 	snop  }
0x7: {  	_ = 	snop  }
__scs_overlays_trampoline_lowered:
0x8: {  	[smem:$0x3FA8] =	sst s0  }
0x9: {  	[smem:$0x3FA9] =	sst s1  }
0xa: {  	[smem:$0x3FAA] =	sst s2  }
0xb: {  	[smem:$0x3FAB] =	sst s3  }
0xc: {  	[smem:$0x3FAC] =	sst s4  }
0xd: {  	[smem:$0x3FAD] =	sst s5  }
0xe: {  	[smem:$0x3FAE] =	sst s6  }
0xf: {  	[smem:$0x3FAF] =	sst s7  }
0x10: {  	[smem:$0x3FB0] =	sst s8  }
0x11: {  	[smem:$0x3FB1] =	sst s9;
	s0 =	simm.s32 @!p0 $0x0  }
0x12: {  	s1 =	sld [smem:$0x3F97];
	s0 =	simm.s32 @p0 $0x1  }
0x13: {  	[smem:$0x3FB2] =	sst s0;
	s0 =	simm.s32 @!p1 $0x0  }
0x14: {  	s2 =	sld [smem:$0x3F96];
	s0 =	simm.s32 @p1 $0x1  }
0x15: {  	[smem:$0x3FB3] =	sst s0;
	s0 =	simm.s32 @!p2 $0x0  }
0x16: {  	s3 =	sld [smem:$0x3FDB];
	s0 =	simm.s32 @p2 $0x1  }
0x17: {  	s4 =	simm.s32 $0x1BF5;
	[smem:$0x3FB5] =	sst s0  }
0x18: {  	s0 =	sld [smem:$0x3F98];
	_ =	swait.ge [sflag:s4], $0x0  }
0x19: {  	s7 =	sld [smem:$0x3F99]  }
0x1a: {  	s8 =	sadd.s32 $0xFFFFE003, lr  }
0x1b: {  	s9 =	sadd.s32 $0xFFFFFEF7, lr;
	s5 =	simm.s32 $0xFFFFFFFF;
	p2 =	slt.u32 s8, $0xFFFFF086  }
0x1c: {  	p1 =	slt.u32 s9, $0xF7A;
	s5 =	simm.s32 @!p2 $0x0  }
0x1d: {  	s5 =	simm.s32 @p1 $0x1;
	p0 =	seq.s32 s7, s2  }
0x1e: {  	s7 =	smul.u32 @!p0 $0xF7A, s2;
	p2 =	seq.s32 @!p0 s5, $0x0  }
0x1f: {  	s9 =	smul.u32 $0xF7A, s1;
	s8 =	simm.s32 @!p0 $0x1BF5;
	p2 =	por !p2, p0  }
0x20: {  	[sflag:s8] =	ssyncset.s32 @!p0 $0xFFFFF086;
	s6 =	sadd.s32 @!p0 s3, s7;
	s7 =	simm.s32 @!p0 $0x108  }
0x21: {  	s3 =	sadd.s32 s3, s9;
	s6 =	sadd.s32 @!p0 $0x88, s6;
	s7 =	simm.s32 @p2 $0x1082  }
0x22: {  	[simem:s7], [sflag:s8] =	dma.local @!p0 [hbm:s6], $0xF7A  }
0x23: {  	s9 =	sor.u32 $0xD0000000, s2;
	s6 =	simm.s32 $0x108;
	_ =	swait.ge @!p0 [sflag:s8], $0x0  }
0x24: {  	s3 =	sadd.s32 $0x88, s3;
	s6 =	simm.s32 @!p1 $0x1082;
	[sflag:s4] =	ssyncset.s32 $0xFFFFF086  }
0x25: {  	[simem:s6], [sflag:s4] =	dma.local [hbm:s3], $0xF7A  }
0x26: {  	[smem:$0x3F99] =	sst s1;
	(tag) =	ssettag s2;
	_ =	strace s9  }
0x27: {  	s1 =	sld [smem:$0x3FA9]  }
0x28: {  	s2 =	sld [smem:$0x3FAA]  }
0x29: {  	s4 =	sld [smem:$0x3FAC]  }
0x2a: {  	p0 =	seq.s32 s5, $0x0;
	s5 =	sld [smem:$0x3FAD]  }
0x2b: {  	s6 =	sld [smem:$0x3FAE]  }
0x2c: {  	s7 =	sld [smem:$0x3FAF]  }
0x2d: {  	s3 =	simm.s32 $0x108;
	s8 =	sld [smem:$0x3FB0]  }
0x2e: {  	s3 =	simm.s32 @!p0 $0x1082;
	s9 =	sld [smem:$0x3FB1]  }
0x2f: {  	lr =	sadd.s32 s0, s3;
	s0 =	sld [smem:$0x3FA8]  }
0x30: {  	s3 =	sld [smem:$0x3FAB]  }
0x31: {  	[smem:$0x3FB4] =	sst s10  }
0x32: {  	s10 =	sld [smem:$0x3FB2];
	_ =	sdelay $0x3  }
0x33: {  	p0 =	seq.s32 s10, $0x1;
	s10 =	sld [smem:$0x3FB4];
	_ =	sdelay $0x3  }
0x34: {  	[smem:$0x3FB4] =	sst s10  }
0x35: {  	s10 =	sld [smem:$0x3FB3];
	_ =	sdelay $0x3  }
0x36: {  	p1 =	seq.s32 s10, $0x1;
	s10 =	sld [smem:$0x3FB4];
	_ =	sdelay $0x3  }
0x37: {  	[smem:$0x3FB4] =	sst s10  }
0x38: {  	s10 =	sld [smem:$0x3FB5]  }
0x39: {  	_ = 	snop;
	(pc) =	sbr.ind lr, $3  }
0x3a: {  	_ = 	snop  }
0x3b: {  	_ = 	snop  }
0x3c: {  	p2 =	seq.s32 s10, $0x1;
	s10 =	sld [smem:$0x3FB4]  }
0x3d: {  	_ =	shalt  }
0x3e: {  	_ =	shalt  }
0x3f: {  	_ =	shalt  }
0x40: {  	_ =	shalt  }
0x41: {  	_ =	shalt  }
0x42: {  	_ =	shalt  }
0x43: {  	_ =	shalt  }
0x44: {  	_ =	shalt  }
0x45: {  	_ =	shalt  }
0x46: {  	_ =	shalt  }
0x47: {  	_ =	shalt  }
0x48: {  	_ =	shalt  }
0x49: {  	_ =	shalt  }
0x4a: {  	_ =	shalt  }
0x4b: {  	_ =	shalt  }
0x4c: {  	_ =	shalt  }
0x4d: {  	_ =	shalt  }
0x4e: {  	_ =	shalt  }
0x4f: {  	_ =	shalt  }
0x50: {  	_ =	shalt  }
0x51: {  	_ =	shalt  }
0x52: {  	_ =	shalt  }
0x53: {  	_ =	shalt  }
0x54: {  	_ =	shalt  }
0x55: {  	_ =	shalt  }
0x56: {  	_ =	shalt  }
0x57: {  	_ =	shalt  }
0x58: {  	_ =	shalt  }
0x59: {  	_ =	shalt  }
0x5a: {  	_ =	shalt  }
0x5b: {  	_ =	shalt  }
0x5c: {  	_ =	shalt  }
0x5d: {  	_ =	shalt  }
0x5e: {  	_ =	shalt  }
0x5f: {  	_ =	shalt  }
0x60: {  	_ =	shalt  }
0x61: {  	_ =	shalt  }
0x62: {  	_ =	shalt  }
0x63: {  	_ =	shalt  }
0x64: {  	_ =	shalt  }
0x65: {  	_ =	shalt  }
0x66: {  	_ =	shalt  }
0x67: {  	_ =	shalt  }
0x68: {  	_ =	shalt  }
0x69: {  	_ =	shalt  }
0x6a: {  	_ =	shalt  }
0x6b: {  	_ =	shalt  }
0x6c: {  	_ =	shalt  }
0x6d: {  	_ =	shalt  }
0x6e: {  	_ =	shalt  }
0x6f: {  	_ =	shalt  }
0x70: {  	_ =	shalt  }
0x71: {  	_ =	shalt  }
0x72: {  	_ =	shalt  }
0x73: {  	_ =	shalt  }
0x74: {  	_ =	shalt  }
0x75: {  	_ =	shalt  }
0x76: {  	_ =	shalt  }
0x77: {  	_ =	shalt  }
0x78: {  	_ =	shalt  }
0x79: {  	_ =	shalt  }
0x7a: {  	_ =	shalt  }
0x7b: {  	_ =	shalt  }
0x7c: {  	_ =	shalt  }
0x7d: {  	_ =	shalt  }
0x7e: {  	_ =	shalt  }
0x7f: {  	_ =	shalt  }
0x80: {  	_ =	shalt  }
0x81: {  	_ =	shalt  }
0x82: {  	_ =	shalt  }
0x83: {  	_ =	shalt  }
0x84: {  	_ =	shalt  }
0x85: {  	_ =	shalt  }
0x86: {  	_ =	shalt  }
0x87: {  	_ =	shalt  }
.Lfunc_end0:
.L_simem_size_0:
called_computation_lowered:
.L_overlay_start_0:
0x88: {  	s2 =	sld [smem:$0x3FD9]  }
0x89: {  	s3 =	sld [smem:$0x3FFE];
	_ =	sdelay $0x1  }
0x8a: {  	s1 =	srdreg.scid  }
0x8b: {  	s0 =	sand.u32 $0x1, s1  }
0x8c: {  	s17 =	sshll.u32 s0, $0xA;
	s2 =	sadd.s32 s3, s2  }
0x8d: {  	s2 =	sadd.s32 s2, s17  }
0x8e: {  	[smem:$0x3FC0] =	sst s2  }
0x8f: {  	_ = 	snop  }
0x90: {  	s2 =	sld [smem:$0x3FC9];
	(tm) =	ssettm $0x1  }
0x91: {  	s18 =	sld [smem:$0x3FFB];
	_ =	sdelay $0x3  }
0x92: {  	_ =	strace s18  }
0x93: {  	s3 =	sld [smem:$0x3FFC];
	_ =	sdelay $0x3  }
0x94: {  	_ =	strace s3  }
0x95: {  	s3 =	sld [smem:$0x3FFD];
	_ =	sdelay $0x3  }
0x96: {  	_ =	strace s3  }
0x97: {  	_ =	strace $0x8FFFFFFF  }
0x98: {  	s19 =	sld [smem:$0x3FDB];
	_ =	sdelay $0x1  }
0x99: {  	s4 =	simm.s32 $_scs_section_size  }
0x9a: {  	s5 =	simm.s32 $_size__tile_overlayer_lowered;
	s6 =	simm.s32 $_tile_overlayer_lowered  }
0x9b: {  	s22 =	simm.s32 $0x1BFF;
	s21 =	sshll.u32 s6, $0x1;
	s3 =	sadd.s32 s4, s19  }
0x9c: {  	s7 =	simm.s32 $0x0;
	s20 =	sshll.u32 s5, $0x1;
	s5 =	sadd.s32 s21, s3  }
0x9d: {  	[timem:s7], [sflag:s22] =	dma.local [hbm:s5], s20  }
0x9e: {  	_ =	swait.ge [sflag:s22], s20  }
0x9f: {  	s4 =	ssub.s32 $0x0, s20;
	[sflag:s22] =	ssyncset.done $0x0  }
0xa0: {  	[sflag:s22] =	ssyncadd.s32 s4;
	_ =	sdelay $0x1  }
0xa1: {  	s23 =	simm.s32 $0x1B8B  }
0xa2: {  	_ =	swait.ge [sflag:s23], $0x1  }
0xa3: {  	[sflag:s23] =	ssyncset.done $0x0  }
0xa4: {  	s25 =	simm.s32 $0x1B8E;
	s24 =	sld [smem:$0x3FFE];
	[sflag:s23] =	ssyncadd.s32 $0xFFFFFFFF  }
0xa5: {  	s26 =	simm.s32 $execute0_lowered;
	[smem:$0x3FD2] =	sst s25  }
0xa6: {  	s5 =	sshll.u32 s26, $0x1;
	_ =	strace $0x80000046;
	[dreg:$0x1] =	wrdreg $0xFFFFFFFF  }
0xa7: {  	s28 =	simm.s32 $_size_execute0_lowered;
	s3 =	sadd.s32 s3, s5;
	[dreg:$0x0] =	wrdreg $0x0  }
0xa8: {  	s5 =	sshll.u32 s28, $0x1;
	[dreg:$0x2] =	wrdreg s3  }
0xa9: {  	[dreg:$0x3] =	wrdreg s5  }
0xaa: {  	[dreg:$0x4] =	wrdreg $0xC0  }
0xab: {  	_ =	task [dreg:s7], $0x5FFFF  }
0xac: {  	[dreg:$0x1] =	wrdreg $0xFFFFFFFF  }
0xad: {  	[dreg:$0x0] =	wrdreg $0x60  }
0xae: {  	[dreg:$0x2] =	wrdreg s2  }
0xaf: {  	[dreg:$0x3] =	wrdreg s24  }
0xb0: {  	[dreg:$0x4] =	wrdreg $0x0  }
0xb1: {  	[dreg:$0x5] =	wrdreg $0x9  }
0xb2: {  	_ =	task.clear_ibuf [dreg:s7], $0x6FFFF;
	_ =	strace $0x90000046  }
0xb3: {  	s29 =	simm.s32 $0x9;
	_ =	strace $0x80000048  }
0xb4: {  	_ =	swait.ge [sflag:s29], $0x1  }
0xb5: {  	[sflag:s29] =	ssyncadd.s32 $0xFFFFFFFF  }
0xb6: {  	_ =	strace $0x90000048  }
0xb7: {  	_ =	sfence  }
0xb8: {  	s30 =	sld [smem:$0x0];
	_ =	sdelay $0x2  }
0xb9: {  	s31 =	sshll.u32 s1, $0xD;
	s1 =	sshrl.u32 s1, $0x2  }
0xba: {  	s3 =	sand.u32 $0x4000, s31;
	s1 =	sadd.s32 s1, s30  }
0xbb: {  	s0 =	sor.u32 s3, s0;
	s1 =	sshll.u32 s1, $0x11  }
0xbc: {  	s0 =	sor.u32 s1, s0  }
0xbd: {  	s0 =	sadd.s32 $0x8F2B, s0  }
0xbe: {  	[sflag:s0] =	ssyncadd.remote.s32 $0x1  }
0xbf: {  	_ =	sfence.sel $0xFFFF  }
0xc0: {  	[dreg:$0x0] =	wrdreg $0xFFFFFFFF;
	(pc) =	sbr.abs _section_cstart, $3  }
0xc1: {  	[dreg:$0x1] =	wrdreg $0xFFFFFFFF  }
0xc2: {  	_ =	task.clear_ibuf [dreg:s7], $0x2FFFF;
	_ =	strace $0x9FFFFFFF  }
0xc3: {  	(tm) =	ssettm $0x7FFFFFFF  }
tec
execute0_lowered:
.L_overlay_start_1:
0x0: {  	(tag) =	ssettag $0x1  }
0x1: {  	s2 =	rddreg [dreg:$0x0]  }
0x2: {  	s5 =	rddreg [dreg:$0x1]  }
0x3: {  	s3 =	rddreg [dreg:$0x2];
	s0 =	stileid.u32  }
0x4: {  	s4 =	simm.s32 $0x0;
	s8 =	srdreg.scid;
	s23 =	simm.s32 $0x80  }
0x5: {  	s24 =	simm.s32 $0x13A00;
	s25 =	simm.s32 $0x1;
	s6 =	smul.u32 $0xA00, s0  }
0x6: {  	s26 =	simm.s32 $0x13980;
	[smem:$0x7FF] =	sst s4;
	s7 =	smul.u32 $0x4E000, s0  }
0x7: {  	s28 =	simm.s32 $0x0;
	s9 =	sadd.s32 $0x124800, s3;
	s11 =	sadd.s32 $0x128800, s3  }
0x8: {  	s15 =	sand.u32 $0x1, s8;
	s19 =	smul.u32 $0x13800, s0;
	s14 =	sadd.s32 $0x134800, s3  }
0x9: {  	s18 =	sadd.s32 $0x16000, s5;
	p0 =	seq.s32 s0, $0xF;
	s16 =	smul.u32 $0x138800, s15  }
0xa: {  	_ =	strace $0x80000047;
	s12 =	ssub.s32 $0x2, s15;
	s21 =	smul.u32 $0x500, s15  }
0xb: {  	s15 =	sadd.s32 $0x138800, s3;
	s31 =	sshrl.u32 s7, $0x2;
	s13 =	sshrl.u32 s12, $0x1  }
0xc: {  	s17 =	sadd.s32 s6, s5;
	s5 =	sadd.s32 s31, s3;
	s20 =	ssub.s32 s12, s13  }
0xd: {  	s12 =	sadd.s32 $0x12C800, s3;
	s13 =	sadd.s32 $0x130800, s3;
	s19 =	sadd.s32 s19, s16  }
0xe: {  	s22 =	sshrl.u32 s16, $0x3;
	s21 =	sadd.s32 s21, s17;
	s6 =	sadd.s32 $0x4000, s5  }
0xf: {  	s7 =	sadd.s32 $0x8000, s5;
	s8 =	sadd.s32 $0xC000, s5;
	s19 =	sshrl.u32 s19, $0x3  }
0x10: {  	s10 =	sadd.s32 $0x10000, s5;
	s16 =	sadd.s32 s18, s19;
	s18 =	sadd.s32 s18, s22  }
0x11: {  	s19 =	sadd.s32 $0xC000, s21;
	s22 =	simm.s32 $0x2;
	s17 =	sadd.s32 $0x24900, s18  }
0x12: {  	v0 =	vimm.f32 $0.0e+00;
	s18 =	smax.u32 s20, $0x1;
	s20 =	sadd.s32 $0x2000, s21;
	s21 =	simm.s32 $0x13900  }
.LBB2_1:
0x13: {  	s29 =	simm.s32 $0x0;
	s30 =	simm.s32 $0x200  }
.LBB2_2:
0x14: {  	p1 =	sne.s32 s30, $0xFE00;
	[tilespmem:s29+$0x13A70] =	vst v0  }
0x15: {  	[tilespmem:s29+$0x13A00] =	vst v0  }
0x16: {  	[tilespmem:s29+$0x13A10] =	vst v0  }
.Ltmp0:
0x17: {  	[tilespmem:s29+$0x13A20] =	vst v0;
	(pc) =	sbr.rel @p1 .LBB2_2-.Ltmp0, $4  }
0x18: {  	[tilespmem:s29+$0x13A30] =	vst v0  }
0x19: {  	[tilespmem:s29+$0x13A40] =	vst v0  }
0x1a: {  	[tilespmem:s29+$0x13A50] =	vst v0  }
0x1b: {  	[tilespmem:s29+$0x13A60] =	vst v0;
	s29 =	sshra.s32 s30, $0x2;
	s30 =	sadd.s32 $0x200, s30  }
0x1c: {  	[tilespmem:s29+$0x13A70] =	vst v0  }
0x1d: {  	[tilespmem:s29+$0x13A00] =	vst v0  }
0x1e: {  	[tilespmem:s29+$0x13A10] =	vst v0  }
0x1f: {  	[tilespmem:s29+$0x13A20] =	vst v0  }
0x20: {  	[tilespmem:s29+$0x13A30] =	vst v0  }
0x21: {  	[tilespmem:s29+$0x13A40] =	vst v0  }
0x22: {  	[tilespmem:s29+$0x13A50] =	vst v0  }
0x23: {  	[tilespmem:s29+$0x13A60] =	vst v0;
	s29 =	simm.s32 @p0 $0x13A00;
	s30 =	simm.s32 @p0 $0x2  }
0x24: {  	[spmem:s9] =	stream.linear.scatter @p0 [tilespmem:s29], [sflag:$0x2], $0x4000, $0x38;
	[tilespmem:$0x17A00] =	vst v63  }
0x25: {  	_ =	swait.ge @p0 [sflag:s30], $0x4000  }
0x26: {  	[sflag:s30] =	ssyncset.done @p0 $0x0  }
0x27: {  	[sflag:s30] =	ssyncadd.s32 @p0 $0xFFFFC000  }
0x28: {  	[spmem:s11] =	stream.linear.scatter @p0 [tilespmem:s29], [sflag:$0x2], $0x4000, $0x38;
	[tilespmem:$0x17A00] =	vst v63  }
0x29: {  	_ =	swait.ge @p0 [sflag:s30], $0x4000  }
0x2a: {  	[sflag:s30] =	ssyncset.done @p0 $0x0  }
0x2b: {  	[sflag:s30] =	ssyncadd.s32 @p0 $0xFFFFC000  }
0x2c: {  	[spmem:s12] =	stream.linear.scatter @p0 [tilespmem:s29], [sflag:$0x2], $0x4000, $0x38;
	[tilespmem:$0x17A00] =	vst v63  }
0x2d: {  	_ =	swait.ge @p0 [sflag:s30], $0x4000  }
0x2e: {  	[sflag:s30] =	ssyncset.done @p0 $0x0  }
0x2f: {  	[sflag:s30] =	ssyncadd.s32 @p0 $0xFFFFC000  }
0x30: {  	[spmem:s13] =	stream.linear.scatter @p0 [tilespmem:s29], [sflag:$0x2], $0x4000, $0x38;
	[tilespmem:$0x17A00] =	vst v63  }
0x31: {  	_ =	swait.ge @p0 [sflag:s30], $0x4000  }
0x32: {  	[sflag:s30] =	ssyncset.done @p0 $0x0  }
0x33: {  	[sflag:s30] =	ssyncadd.s32 @p0 $0xFFFFC000  }
0x34: {  	[spmem:s14] =	stream.linear.scatter @p0 [tilespmem:s29], [sflag:$0x2], $0x4000, $0x38;
	[tilespmem:$0x17A00] =	vst v63  }
0x35: {  	_ =	swait.ge @p0 [sflag:s30], $0x4000  }
0x36: {  	[sflag:s30] =	ssyncset.done @p0 $0x0  }
0x37: {  	[sflag:s30] =	ssyncadd.s32 @p0 $0xFFFFC000  }
0x38: {  	[spmem:s15] =	stream.linear.scatter @p0 [tilespmem:s29], [sflag:$0x2], $0x800, $0x38;
	[tilespmem:$0x17A00] =	vst v63  }
0x39: {  	_ =	swait.ge @p0 [sflag:s30], $0x800  }
0x3a: {  	[sflag:s30] =	ssyncset.done @p0 $0x0  }
0x3b: {  	s29 =	simm.s32 @!p0 $0x13A00;
	[sflag:s30] =	ssyncadd.s32 @p0 $0xFFFFF800;
	s30 =	simm.s32 @!p0 $0x2  }
0x3c: {  	[spmem:s5] =	stream.linear.scatter @!p0 [tilespmem:s29], [sflag:$0x2], $0x4000, $0x38;
	[tilespmem:$0x17A00] =	vst v63  }
0x3d: {  	_ =	swait.ge @!p0 [sflag:s30], $0x4000  }
0x3e: {  	[sflag:s30] =	ssyncset.done @!p0 $0x0  }
0x3f: {  	[sflag:s30] =	ssyncadd.s32 @!p0 $0xFFFFC000  }
0x40: {  	[spmem:s6] =	stream.linear.scatter @!p0 [tilespmem:s29], [sflag:$0x2], $0x4000, $0x38;
	[tilespmem:$0x17A00] =	vst v63  }
0x41: {  	_ =	swait.ge @!p0 [sflag:s30], $0x4000  }
0x42: {  	[sflag:s30] =	ssyncset.done @!p0 $0x0  }
0x43: {  	[sflag:s30] =	ssyncadd.s32 @!p0 $0xFFFFC000  }
0x44: {  	[spmem:s7] =	stream.linear.scatter @!p0 [tilespmem:s29], [sflag:$0x2], $0x4000, $0x38;
	[tilespmem:$0x17A00] =	vst v63  }
0x45: {  	_ =	swait.ge @!p0 [sflag:s30], $0x4000  }
0x46: {  	[sflag:s30] =	ssyncset.done @!p0 $0x0  }
0x47: {  	[sflag:s30] =	ssyncadd.s32 @!p0 $0xFFFFC000  }
0x48: {  	[spmem:s8] =	stream.linear.scatter @!p0 [tilespmem:s29], [sflag:$0x2], $0x4000, $0x38;
	[tilespmem:$0x17A00] =	vst v63  }
0x49: {  	_ =	swait.ge @!p0 [sflag:s30], $0x4000  }
0x4a: {  	[sflag:s30] =	ssyncset.done @!p0 $0x0  }
0x4b: {  	[sflag:s30] =	ssyncadd.s32 @!p0 $0xFFFFC000  }
0x4c: {  	[spmem:s10] =	stream.linear.scatter @!p0 [tilespmem:s29], [sflag:$0x2], $0x3800, $0x38;
	[tilespmem:$0x17A00] =	vst v63  }
0x4d: {  	_ =	swait.ge @!p0 [sflag:s30], $0x3800  }
0x4e: {  	[sflag:s30] =	ssyncset.done @!p0 $0x0  }
0x4f: {  	[sflag:s30] =	ssyncadd.s32 @!p0 $0xFFFFC800  }
0x50: {  	s29 =	sadd.s32 $0x0, s20;
	[bflag:$0x0] =	sbarrier.arrive $0xFFFF  }
0x51: {  	[tilespmem:s21], [sflag:$0x2] =	stream.linear.gather [hbm4b:s29+s4], $0x80, $0x38;
	[tilespmem:$0x17A00] =	vst v63  }
0x52: {  	_ =	swait.ge [sflag:s22], $0x80  }
0x53: {  	[sflag:s22] =	ssyncset.done $0x0  }
0x54: {  	[sflag:s22] =	ssyncadd.s32 $0xFFFFFF80  }
0x55: {  	[tilespmem:s24], [sflag:$0x1] =	stream.indirect.gather [hbm4b:s2+s23], $0x80, s21, s23, $0xb8;
	[tilespmem:$0x17A00] =	vst v63  }
0x56: {  	_ =	swait.ge [sflag:s25], $0x4000  }
0x57: {  	[sflag:s25] =	ssyncset.done $0x0  }
0x58: {  	s29 =	sadd.s32 $0x0, s19;
	[sflag:s25] =	ssyncadd.s32 $0xFFFFC000  }
0x59: {  	[tilespmem:s26], [sflag:$0x2] =	stream.linear.gather [hbm4b:s29+s4], $0x80, $0x38;
	[tilespmem:$0x17A00] =	vst v63  }
0x5a: {  	_ =	swait.ge [sflag:s22], $0x80  }
0x5b: {  	[sflag:s22] =	ssyncset.done $0x0  }
0x5c: {  	[sflag:s22] =	ssyncadd.s32 $0xFFFFFF80  }
0x5d: {  	[spmem:s3] =	stream.indirect.scatter.add.f32 [tilespmem:s24], [sflag:$0x2], $0x80, s26, s23, $0xb8;
	[tilespmem:$0x17A00] =	vst v63  }
0x5e: {  	_ =	swait.ge [sflag:s22], $0x4000  }
0x5f: {  	s30 =	simm.s32 $0x20;
	s29 =	simm.s32 $0x10;
	[sflag:s22] =	ssyncset.done $0x0  }
.LBB2_4:
0x60: {  	s31 =	sadd.s32 s29, s20  }
0x61: {  	[sflag:s22] =	ssyncadd.s32 $0xFFFFC000;
	s0 =	smov.u32 s30;
	s1 =	sadd.s32 $0x10, s30  }
0x62: {  	[tilespmem:s21], [sflag:$0x2] =	stream.linear.gather [hbm4b:s31+s4], $0x80, $0x38;
	[tilespmem:$0x17A00] =	vst v63  }
0x63: {  	p1 =	sne.s32 s30, $0x4F0;
	_ =	swait.ge [sflag:s22], $0x80  }
0x64: {  	[sflag:s22] =	ssyncset.done $0x0  }
0x65: {  	[sflag:s22] =	ssyncadd.s32 $0xFFFFFF80  }
0x66: {  	[tilespmem:s24], [sflag:$0x1] =	stream.indirect.gather [hbm4b:s2+s23], $0x80, s21, s23, $0xb8;
	[tilespmem:$0x17A00] =	vst v63  }
0x67: {  	_ =	swait.ge [sflag:s25], $0x4000  }
0x68: {  	[sflag:s25] =	ssyncset.done $0x0  }
0x69: {  	s30 =	sadd.s32 s29, s19;
	s29 =	smov.u32 s0;
	[sflag:s25] =	ssyncadd.s32 $0xFFFFC000  }
0x6a: {  	[tilespmem:s26], [sflag:$0x2] =	stream.linear.gather [hbm4b:s30+s4], $0x80, $0x38;
	[tilespmem:$0x17A00] =	vst v63  }
0x6b: {  	_ =	swait.ge [sflag:s22], $0x80  }
.Ltmp1:
0x6c: {  	[sflag:s22] =	ssyncset.done $0x0;
	(pc) =	sbr.rel @p1 .LBB2_4-.Ltmp1, $4  }
0x6d: {  	[sflag:s22] =	ssyncadd.s32 $0xFFFFFF80  }
0x6e: {  	[spmem:s3] =	stream.indirect.scatter.add.f32 [tilespmem:s24], [sflag:$0x2], $0x80, s26, s23, $0xb8;
	[tilespmem:$0x17A00] =	vst v63  }
0x6f: {  	_ =	swait.ge [sflag:s22], $0x4000  }
0x70: {  	s30 =	smov.u32 s1;
	[sflag:s22] =	ssyncset.done $0x0  }
0x71: {  	s0 =	sadd.s32 s29, s20;
	[sflag:s22] =	ssyncadd.s32 $0xFFFFC000  }
0x72: {  	[tilespmem:s21], [sflag:$0x2] =	stream.linear.gather [hbm4b:s0+s4], $0x80, $0x38;
	[tilespmem:$0x17A00] =	vst v63  }
0x73: {  	_ =	swait.ge [sflag:s22], $0x80  }
0x74: {  	[sflag:s22] =	ssyncset.done $0x0  }
0x75: {  	[sflag:s22] =	ssyncadd.s32 $0xFFFFFF80  }
0x76: {  	[tilespmem:s24], [sflag:$0x1] =	stream.indirect.gather [hbm4b:s2+s23], $0x80, s21, s23, $0xb8;
	[tilespmem:$0x17A00] =	vst v63  }
0x77: {  	_ =	swait.ge [sflag:s25], $0x4000  }
0x78: {  	[sflag:s25] =	ssyncset.done $0x0  }
0x79: {  	s31 =	sadd.s32 s29, s19;
	[sflag:s25] =	ssyncadd.s32 $0xFFFFC000  }
0x7a: {  	[tilespmem:s26], [sflag:$0x2] =	stream.linear.gather [hbm4b:s31+s4], $0x80, $0x38;
	[tilespmem:$0x17A00] =	vst v63  }
0x7b: {  	_ =	swait.ge [sflag:s22], $0x80  }
0x7c: {  	[sflag:s22] =	ssyncset.done $0x0  }
0x7d: {  	[sflag:s22] =	ssyncadd.s32 $0xFFFFFF80  }
0x7e: {  	[spmem:s3] =	stream.indirect.scatter.add.f32 [tilespmem:s24], [sflag:$0x2], $0x80, s26, s23, $0xb8;
	[tilespmem:$0x17A00] =	vst v63  }
0x7f: {  	_ =	swait.ge [sflag:s22], $0x4000  }
0x80: {  	[sflag:s22] =	ssyncset.done $0x0  }
0x81: {  	[sflag:s22] =	ssyncadd.s32 $0xFFFFC000  }
0x82: {  	s1 =	simm.s32 @p0 $0x1FC2;
	s0 =	sshrl.u32 @p0 s9, $0x3;
	[bflag:$0x0] =	sbarrier.arrive $0xFFFF  }
0x83: {  	[hbm:s17], [sflag:s1] =	dma.local @p0 [spmem:s0], $0x2800  }
0x84: {  	s0 =	simm.s32 @p0 $0x2  }
0x85: {  	s28 =	sadd.s32 $0x1, s28;
	s1 =	stileid.u32;
	_ =	swait.ge @p0 [sflag:s0], $0x2800  }
0x86: {  	p1 =	sne.s32 s28, s18;
	s1 =	sshll.u32 @!p0 s1, $0x6;
	[sflag:s0] =	ssyncset.done @p0 $0x0  }
0x87: {  	[sflag:s0] =	ssyncadd.s32 @p0 $0xFFFFD800;
	s0 =	sor.u32 @!p0 $0x1C02, s1;
	s1 =	sshrl.u32 @!p0 s5, $0x3  }
0x88: {  	[hbm:s16], [sflag:s0] =	dma.local @!p0 [spmem:s1], $0x2700  }
.Ltmp2:
0x89: {  	_ = 	snop;
	(pc) =	sbr.rel @p1 .LBB2_1-.Ltmp2, $4  }
0x8a: {  	s0 =	simm.s32 @!p0 $0x2  }
0x8b: {  	_ =	swait.ge @!p0 [sflag:s0], $0x2700  }
0x8c: {  	[sflag:s0] =	ssyncset.done @!p0 $0x0  }
0x8d: {  	[sflag:s0] =	ssyncadd.s32 @!p0 $0xFFFFD900  }
0x8e: {  	_ =	sfence.sel $0x180000  }
0x8f: {  	[bflag:$0x0] =	sbarrier.arrive $0xFFFF  }
0x90: {  	_ =	strace $0x90000047  }
0x91: {  	s0 =	stileid.u32;
	[bflag:$0x2] =	sbarrier.arrive $0xFFFF  }
0x92: {  	p0 =	sne.s32 s0, $0x0;
	s0 =	rddreg [dreg:$0x3]  }
0x93: {  	s0 =	sadd.s32 @!p0 $0x100000, s0  }
0x94: {  	[sflag:s0] =	ssyncadd.tile.s32 @!p0 $0x1;
	_ =	shalt  }
.Lfunc_end2:
_tile_overlayer_lowered:
.L_overlay_start_2:
0x95: {  	(tag) =	ssettag $0x2  }
0x96: {  	s0 =	rddreg [dreg:$0x0];
	s2 =	stileid.u32  }
0x97: {  	s1 =	rddreg [dreg:$0x1];
	p0 =	sne.s32 s2, $0x0  }
0x98: {  	s3 =	rddreg [dreg:$0x2];
	[bflag:$0x3] =	sbarrier.arrive $0xFFFF;
	s2 =	simm.s32 @!p0 $0x1C02  }
0x99: {  	[timem:s3], [sflag:s2] =	dma.local @!p0 [hbm:s0], s1  }
0x9a: {  	s0 =	simm.s32 @!p0 $0x2  }
0x9b: {  	_ =	swait.ge @!p0 [sflag:s0], s1  }
0x9c: {  	s1 =	ssub.s32 @!p0 $0x0, s1;
	[sflag:s0] =	ssyncset.done @!p0 $0x0  }
0x9d: {  	[sflag:s0] =	ssyncadd.s32 @!p0 s1  }
0x9e: {  	[bflag:$0x3] =	sbarrier.arrive $0xFFFF  }
0x9f: {  	_ =	shalt  }

// kernel: kernel.9.cloned.1.call-start
scs
__scs_entry_jumppad:
0x0: {  	(pc) =	sbr.rel $0x88, $3  }
0x1: {  	(tag) =	ssettag $0x0;
	lr =	simm.s32 $0x1  }
0x2: {  	[smem:$0x3F99] =	sst lr;
	_ =	strace $0xD0000000  }
0x3: {  	_ = 	snop  }
0x4: {  	_ = 	snop  }
0x5: {  	_ = 	snop  }
0x6: {  	_ = 	snop  }
0x7: {  	_ = 	snop  }
__scs_overlays_trampoline_lowered:
0x8: {  	[smem:$0x3FA8] =	sst s0  }
0x9: {  	[smem:$0x3FA9] =	sst s1  }
0xa: {  	[smem:$0x3FAA] =	sst s2  }
0xb: {  	[smem:$0x3FAB] =	sst s3  }
0xc: {  	[smem:$0x3FAC] =	sst s4  }
0xd: {  	[smem:$0x3FAD] =	sst s5  }
0xe: {  	[smem:$0x3FAE] =	sst s6  }
0xf: {  	[smem:$0x3FAF] =	sst s7  }
0x10: {  	[smem:$0x3FB0] =	sst s8  }
0x11: {  	[smem:$0x3FB1] =	sst s9;
	s0 =	simm.s32 @!p0 $0x0  }
0x12: {  	s1 =	sld [smem:$0x3F97];
	s0 =	simm.s32 @p0 $0x1  }
0x13: {  	[smem:$0x3FB2] =	sst s0;
	s0 =	simm.s32 @!p1 $0x0  }
0x14: {  	s2 =	sld [smem:$0x3F96];
	s0 =	simm.s32 @p1 $0x1  }
0x15: {  	[smem:$0x3FB3] =	sst s0;
	s0 =	simm.s32 @!p2 $0x0  }
0x16: {  	s3 =	sld [smem:$0x3FDB];
	s0 =	simm.s32 @p2 $0x1  }
0x17: {  	s4 =	simm.s32 $0x1BF5;
	[smem:$0x3FB5] =	sst s0  }
0x18: {  	s0 =	sld [smem:$0x3F98];
	_ =	swait.ge [sflag:s4], $0x0  }
0x19: {  	s7 =	sld [smem:$0x3F99]  }
0x1a: {  	s8 =	sadd.s32 $0xFFFFE003, lr  }
0x1b: {  	s9 =	sadd.s32 $0xFFFFFEF7, lr;
	s5 =	simm.s32 $0xFFFFFFFF;
	p2 =	slt.u32 s8, $0xFFFFF086  }
0x1c: {  	p1 =	slt.u32 s9, $0xF7A;
	s5 =	simm.s32 @!p2 $0x0  }
0x1d: {  	s5 =	simm.s32 @p1 $0x1;
	p0 =	seq.s32 s7, s2  }
0x1e: {  	s7 =	smul.u32 @!p0 $0xF7A, s2;
	p2 =	seq.s32 @!p0 s5, $0x0  }
0x1f: {  	s9 =	smul.u32 $0xF7A, s1;
	s8 =	simm.s32 @!p0 $0x1BF5;
	p2 =	por !p2, p0  }
0x20: {  	[sflag:s8] =	ssyncset.s32 @!p0 $0xFFFFF086;
	s6 =	sadd.s32 @!p0 s3, s7;
	s7 =	simm.s32 @!p0 $0x108  }
0x21: {  	s3 =	sadd.s32 s3, s9;
	s6 =	sadd.s32 @!p0 $0x88, s6;
	s7 =	simm.s32 @p2 $0x1082  }
0x22: {  	[simem:s7], [sflag:s8] =	dma.local @!p0 [hbm:s6], $0xF7A  }
0x23: {  	s9 =	sor.u32 $0xD0000000, s2;
	s6 =	simm.s32 $0x108;
	_ =	swait.ge @!p0 [sflag:s8], $0x0  }
0x24: {  	s3 =	sadd.s32 $0x88, s3;
	s6 =	simm.s32 @!p1 $0x1082;
	[sflag:s4] =	ssyncset.s32 $0xFFFFF086  }
0x25: {  	[simem:s6], [sflag:s4] =	dma.local [hbm:s3], $0xF7A  }
0x26: {  	[smem:$0x3F99] =	sst s1;
	(tag) =	ssettag s2;
	_ =	strace s9  }
0x27: {  	s1 =	sld [smem:$0x3FA9]  }
0x28: {  	s2 =	sld [smem:$0x3FAA]  }
0x29: {  	s4 =	sld [smem:$0x3FAC]  }
0x2a: {  	p0 =	seq.s32 s5, $0x0;
	s5 =	sld [smem:$0x3FAD]  }
0x2b: {  	s6 =	sld [smem:$0x3FAE]  }
0x2c: {  	s7 =	sld [smem:$0x3FAF]  }
0x2d: {  	s3 =	simm.s32 $0x108;
	s8 =	sld [smem:$0x3FB0]  }
0x2e: {  	s3 =	simm.s32 @!p0 $0x1082;
	s9 =	sld [smem:$0x3FB1]  }
0x2f: {  	lr =	sadd.s32 s0, s3;
	s0 =	sld [smem:$0x3FA8]  }
0x30: {  	s3 =	sld [smem:$0x3FAB]  }
0x31: {  	[smem:$0x3FB4] =	sst s10  }
0x32: {  	s10 =	sld [smem:$0x3FB2];
	_ =	sdelay $0x3  }
0x33: {  	p0 =	seq.s32 s10, $0x1;
	s10 =	sld [smem:$0x3FB4];
	_ =	sdelay $0x3  }
0x34: {  	[smem:$0x3FB4] =	sst s10  }
0x35: {  	s10 =	sld [smem:$0x3FB3];
	_ =	sdelay $0x3  }
0x36: {  	p1 =	seq.s32 s10, $0x1;
	s10 =	sld [smem:$0x3FB4];
	_ =	sdelay $0x3  }
0x37: {  	[smem:$0x3FB4] =	sst s10  }
0x38: {  	s10 =	sld [smem:$0x3FB5]  }
0x39: {  	_ = 	snop;
	(pc) =	sbr.ind lr, $3  }
0x3a: {  	_ = 	snop  }
0x3b: {  	_ = 	snop  }
0x3c: {  	p2 =	seq.s32 s10, $0x1;
	s10 =	sld [smem:$0x3FB4]  }
0x3d: {  	_ =	shalt  }
0x3e: {  	_ =	shalt  }
0x3f: {  	_ =	shalt  }
0x40: {  	_ =	shalt  }
0x41: {  	_ =	shalt  }
0x42: {  	_ =	shalt  }
0x43: {  	_ =	shalt  }
0x44: {  	_ =	shalt  }
0x45: {  	_ =	shalt  }
0x46: {  	_ =	shalt  }
0x47: {  	_ =	shalt  }
0x48: {  	_ =	shalt  }
0x49: {  	_ =	shalt  }
0x4a: {  	_ =	shalt  }
0x4b: {  	_ =	shalt  }
0x4c: {  	_ =	shalt  }
0x4d: {  	_ =	shalt  }
0x4e: {  	_ =	shalt  }
0x4f: {  	_ =	shalt  }
0x50: {  	_ =	shalt  }
0x51: {  	_ =	shalt  }
0x52: {  	_ =	shalt  }
0x53: {  	_ =	shalt  }
0x54: {  	_ =	shalt  }
0x55: {  	_ =	shalt  }
0x56: {  	_ =	shalt  }
0x57: {  	_ =	shalt  }
0x58: {  	_ =	shalt  }
0x59: {  	_ =	shalt  }
0x5a: {  	_ =	shalt  }
0x5b: {  	_ =	shalt  }
0x5c: {  	_ =	shalt  }
0x5d: {  	_ =	shalt  }
0x5e: {  	_ =	shalt  }
0x5f: {  	_ =	shalt  }
0x60: {  	_ =	shalt  }
0x61: {  	_ =	shalt  }
0x62: {  	_ =	shalt  }
0x63: {  	_ =	shalt  }
0x64: {  	_ =	shalt  }
0x65: {  	_ =	shalt  }
0x66: {  	_ =	shalt  }
0x67: {  	_ =	shalt  }
0x68: {  	_ =	shalt  }
0x69: {  	_ =	shalt  }
0x6a: {  	_ =	shalt  }
0x6b: {  	_ =	shalt  }
0x6c: {  	_ =	shalt  }
0x6d: {  	_ =	shalt  }
0x6e: {  	_ =	shalt  }
0x6f: {  	_ =	shalt  }
0x70: {  	_ =	shalt  }
0x71: {  	_ =	shalt  }
0x72: {  	_ =	shalt  }
0x73: {  	_ =	shalt  }
0x74: {  	_ =	shalt  }
0x75: {  	_ =	shalt  }
0x76: {  	_ =	shalt  }
0x77: {  	_ =	shalt  }
0x78: {  	_ =	shalt  }
0x79: {  	_ =	shalt  }
0x7a: {  	_ =	shalt  }
0x7b: {  	_ =	shalt  }
0x7c: {  	_ =	shalt  }
0x7d: {  	_ =	shalt  }
0x7e: {  	_ =	shalt  }
0x7f: {  	_ =	shalt  }
0x80: {  	_ =	shalt  }
0x81: {  	_ =	shalt  }
0x82: {  	_ =	shalt  }
0x83: {  	_ =	shalt  }
0x84: {  	_ =	shalt  }
0x85: {  	_ =	shalt  }
0x86: {  	_ =	shalt  }
0x87: {  	_ =	shalt  }
.Lfunc_end0:
.L_simem_size_0:
called_computation.1_lowered:
.L_overlay_start_0:
0x88: {  	s2 =	sld [smem:$0x3FD9]  }
0x89: {  	s3 =	sld [smem:$0x3FFE];
	_ =	sdelay $0x1  }
0x8a: {  	s1 =	srdreg.scid  }
0x8b: {  	s0 =	sand.u32 $0x1, s1  }
0x8c: {  	s16 =	sshll.u32 s0, $0xA;
	s2 =	sadd.s32 s3, s2  }
0x8d: {  	s2 =	sadd.s32 s2, s16  }
0x8e: {  	[smem:$0x3FC0] =	sst s2  }
0x8f: {  	_ = 	snop  }
0x90: {  	(tm) =	ssettm $0x1  }
0x91: {  	s17 =	sld [smem:$0x3FFB];
	_ =	sdelay $0x3  }
0x92: {  	_ =	strace s17  }
0x93: {  	s2 =	sld [smem:$0x3FFC];
	_ =	sdelay $0x3  }
0x94: {  	_ =	strace s2  }
0x95: {  	s2 =	sld [smem:$0x3FFD];
	_ =	sdelay $0x3  }
0x96: {  	_ =	strace s2  }
0x97: {  	_ =	strace $0x8FFFFFFF  }
0x98: {  	s18 =	sld [smem:$0x3FDB];
	_ =	sdelay $0x1  }
0x99: {  	s19 =	simm.s32 $_scs_section_size  }
0x9a: {  	s4 =	simm.s32 $_size__tile_overlayer_lowered;
	s5 =	simm.s32 $_tile_overlayer_lowered  }
0x9b: {  	s22 =	simm.s32 $0x1BFF;
	s21 =	sshll.u32 s5, $0x1;
	s2 =	sadd.s32 s19, s18  }
0x9c: {  	s6 =	simm.s32 $0x0;
	s20 =	sshll.u32 s4, $0x1;
	s4 =	sadd.s32 s21, s2  }
0x9d: {  	[timem:s6], [sflag:s22] =	dma.local [hbm:s4], s20  }
0x9e: {  	_ =	swait.ge [sflag:s22], s20  }
0x9f: {  	s3 =	ssub.s32 $0x0, s20;
	[sflag:s22] =	ssyncset.done $0x0  }
0xa0: {  	[sflag:s22] =	ssyncadd.s32 s3;
	_ =	sdelay $0x1  }
0xa1: {  	s23 =	simm.s32 $0x1B8B  }
0xa2: {  	_ =	swait.ge [sflag:s23], $0x1  }
0xa3: {  	[sflag:s23] =	ssyncset.done $0x0  }
0xa4: {  	s25 =	simm.s32 $0x1B8E;
	s24 =	sld [smem:$0x3FFE];
	[sflag:s23] =	ssyncadd.s32 $0xFFFFFFFF  }
0xa5: {  	s26 =	simm.s32 $execute0_lowered;
	[smem:$0x3FD2] =	sst s25  }
0xa6: {  	s4 =	sshll.u32 s26, $0x1;
	_ =	strace $0x80000049;
	[dreg:$0x1] =	wrdreg $0xFFFFFFFF  }
0xa7: {  	s28 =	simm.s32 $_size_execute0_lowered;
	s2 =	sadd.s32 s2, s4;
	[dreg:$0x0] =	wrdreg $0x0  }
0xa8: {  	s4 =	sshll.u32 s28, $0x1;
	[dreg:$0x2] =	wrdreg s2  }
0xa9: {  	[dreg:$0x3] =	wrdreg s4  }
0xaa: {  	[dreg:$0x4] =	wrdreg $0xC0  }
0xab: {  	_ =	task [dreg:s6], $0x5FFFF  }
0xac: {  	[dreg:$0x1] =	wrdreg $0xFFFFFFFF  }
0xad: {  	[dreg:$0x0] =	wrdreg $0x60  }
0xae: {  	[dreg:$0x2] =	wrdreg s24  }
0xaf: {  	[dreg:$0x3] =	wrdreg $0x0  }
0xb0: {  	[dreg:$0x4] =	wrdreg $0x9  }
0xb1: {  	_ =	task.clear_ibuf [dreg:s6], $0x5FFFF;
	_ =	strace $0x90000049  }
0xb2: {  	s29 =	simm.s32 $0x9;
	_ =	strace $0x8000004B  }
0xb3: {  	_ =	swait.ge [sflag:s29], $0x1  }
0xb4: {  	[sflag:s29] =	ssyncadd.s32 $0xFFFFFFFF  }
0xb5: {  	_ =	strace $0x9000004B  }
0xb6: {  	_ =	sfence  }
0xb7: {  	s30 =	sld [smem:$0x0];
	_ =	sdelay $0x2  }
0xb8: {  	s31 =	sshll.u32 s1, $0xD;
	s1 =	sshrl.u32 s1, $0x2  }
0xb9: {  	s3 =	sand.u32 $0x4000, s31;
	s1 =	sadd.s32 s1, s30  }
0xba: {  	s0 =	sor.u32 s3, s0;
	s1 =	sshll.u32 s1, $0x11  }
0xbb: {  	s0 =	sor.u32 s1, s0  }
0xbc: {  	s0 =	sadd.s32 $0x8F2B, s0  }
0xbd: {  	[sflag:s0] =	ssyncadd.remote.s32 $0x1  }
0xbe: {  	_ =	sfence.sel $0xFFFF  }
0xbf: {  	[dreg:$0x0] =	wrdreg $0xFFFFFFFF;
	(pc) =	sbr.abs _section_cstart, $3  }
0xc0: {  	[dreg:$0x1] =	wrdreg $0xFFFFFFFF  }
0xc1: {  	_ =	task.clear_ibuf [dreg:s6], $0x2FFFF;
	_ =	strace $0x9FFFFFFF  }
0xc2: {  	(tm) =	ssettm $0x7FFFFFFF  }
0xc3: {  	_ =	shalt  }
tec
execute0_lowered:
.L_overlay_start_1:
0x0: {  	(tag) =	ssettag $0x1  }
0x1: {  	s5 =	rddreg [dreg:$0x0]  }
0x2: {  	s2 =	rddreg [dreg:$0x1];
	s0 =	stileid.u32;
	s3 =	simm.s32 $0x0  }
0x3: {  	s8 =	srdreg.scid;
	s23 =	simm.s32 $0x80;
	s24 =	simm.s32 $0x13A00  }
0x4: {  	s25 =	simm.s32 $0x1;
	s26 =	simm.s32 $0x13980;
	s6 =	smul.u32 $0xA00, s0  }
0x5: {  	[smem:$0x7FF] =	sst s3;
	s7 =	smul.u32 $0x4E000, s0;
	s4 =	sadd.s32 $0x16000, s5  }
0x6: {  	s28 =	simm.s32 $0x0;
	s9 =	sadd.s32 $0x124800, s2;
	s11 =	sadd.s32 $0x128800, s2  }
0x7: {  	s15 =	sand.u32 $0x1, s8;
	s19 =	smul.u32 $0x13800, s0;
	s14 =	sadd.s32 $0x134800, s2  }
0x8: {  	s18 =	sadd.s32 $0x3D200, s5;
	p0 =	seq.s32 s0, $0xF;
	s16 =	smul.u32 $0x138800, s15  }
0x9: {  	_ =	strace $0x8000004A;
	s12 =	ssub.s32 $0x2, s15;
	s21 =	smul.u32 $0x500, s15  }
0xa: {  	s15 =	sadd.s32 $0x138800, s2;
	s31 =	sshrl.u32 s7, $0x2;
	s13 =	sshrl.u32 s12, $0x1  }
0xb: {  	s17 =	sadd.s32 s6, s5;
	s5 =	sadd.s32 s31, s2;
	s20 =	ssub.s32 s12, s13  }
0xc: {  	s12 =	sadd.s32 $0x12C800, s2;
	s13 =	sadd.s32 $0x130800, s2;
	s19 =	sadd.s32 s19, s16  }
0xd: {  	s22 =	sshrl.u32 s16, $0x3;
	s21 =	sadd.s32 s21, s17;
	s6 =	sadd.s32 $0x4000, s5  }
0xe: {  	s7 =	sadd.s32 $0x8000, s5;
	s8 =	sadd.s32 $0xC000, s5;
	s19 =	sshrl.u32 s19, $0x3  }
0xf: {  	s10 =	sadd.s32 $0x10000, s5;
	s16 =	sadd.s32 s18, s19;
	s18 =	sadd.s32 s18, s22  }
0x10: {  	s19 =	sadd.s32 $0xC000, s21;
	s22 =	simm.s32 $0x2;
	s17 =	sadd.s32 $0x24900, s18  }
0x11: {  	v0 =	vimm.f32 $0.0e+00;
	s18 =	smax.u32 s20, $0x1;
	s20 =	sadd.s32 $0x2000, s21;
	s21 =	simm.s32 $0x13900  }
.LBB2_1:
0x12: {  	s29 =	simm.s32 $0x0;
	s30 =	simm.s32 $0x200  }
.LBB2_2:
0x13: {  	p1 =	sne.s32 s30, $0xFE00;
	[tilespmem:s29+$0x13A70] =	vst v0  }
0x14: {  	[tilespmem:s29+$0x13A00] =	vst v0  }
0x15: {  	[tilespmem:s29+$0x13A10] =	vst v0  }
.Ltmp0:
0x16: {  	[tilespmem:s29+$0x13A20] =	vst v0;
	(pc) =	sbr.rel @p1 .LBB2_2-.Ltmp0, $4  }
0x17: {  	[tilespmem:s29+$0x13A30] =	vst v0  }
0x18: {  	[tilespmem:s29+$0x13A40] =	vst v0  }
0x19: {  	[tilespmem:s29+$0x13A50] =	vst v0  }
0x1a: {  	[tilespmem:s29+$0x13A60] =	vst v0;
	s29 =	sshra.s32 s30, $0x2;
	s30 =	sadd.s32 $0x200, s30  }
0x1b: {  	[tilespmem:s29+$0x13A70] =	vst v0  }
0x1c: {  	[tilespmem:s29+$0x13A00] =	vst v0  }
0x1d: {  	[tilespmem:s29+$0x13A10] =	vst v0  }
0x1e: {  	[tilespmem:s29+$0x13A20] =	vst v0  }
0x1f: {  	[tilespmem:s29+$0x13A30] =	vst v0  }
0x20: {  	[tilespmem:s29+$0x13A40] =	vst v0  }
0x21: {  	[tilespmem:s29+$0x13A50] =	vst v0  }
0x22: {  	[tilespmem:s29+$0x13A60] =	vst v0;
	s29 =	simm.s32 @p0 $0x13A00;
	s30 =	simm.s32 @p0 $0x2  }
0x23: {  	[spmem:s9] =	stream.linear.scatter @p0 [tilespmem:s29], [sflag:$0x2], $0x4000, $0x38;
	[tilespmem:$0x17A00] =	vst v63  }
0x24: {  	_ =	swait.ge @p0 [sflag:s30], $0x4000  }
0x25: {  	[sflag:s30] =	ssyncset.done @p0 $0x0  }
0x26: {  	[sflag:s30] =	ssyncadd.s32 @p0 $0xFFFFC000  }
0x27: {  	[spmem:s11] =	stream.linear.scatter @p0 [tilespmem:s29], [sflag:$0x2], $0x4000, $0x38;
	[tilespmem:$0x17A00] =	vst v63  }
0x28: {  	_ =	swait.ge @p0 [sflag:s30], $0x4000  }
0x29: {  	[sflag:s30] =	ssyncset.done @p0 $0x0  }
0x2a: {  	[sflag:s30] =	ssyncadd.s32 @p0 $0xFFFFC000  }
0x2b: {  	[spmem:s12] =	stream.linear.scatter @p0 [tilespmem:s29], [sflag:$0x2], $0x4000, $0x38;
	[tilespmem:$0x17A00] =	vst v63  }
0x2c: {  	_ =	swait.ge @p0 [sflag:s30], $0x4000  }
0x2d: {  	[sflag:s30] =	ssyncset.done @p0 $0x0  }
0x2e: {  	[sflag:s30] =	ssyncadd.s32 @p0 $0xFFFFC000  }
0x2f: {  	[spmem:s13] =	stream.linear.scatter @p0 [tilespmem:s29], [sflag:$0x2], $0x4000, $0x38;
	[tilespmem:$0x17A00] =	vst v63  }
0x30: {  	_ =	swait.ge @p0 [sflag:s30], $0x4000  }
0x31: {  	[sflag:s30] =	ssyncset.done @p0 $0x0  }
0x32: {  	[sflag:s30] =	ssyncadd.s32 @p0 $0xFFFFC000  }
0x33: {  	[spmem:s14] =	stream.linear.scatter @p0 [tilespmem:s29], [sflag:$0x2], $0x4000, $0x38;
	[tilespmem:$0x17A00] =	vst v63  }
0x34: {  	_ =	swait.ge @p0 [sflag:s30], $0x4000  }
0x35: {  	[sflag:s30] =	ssyncset.done @p0 $0x0  }
0x36: {  	[sflag:s30] =	ssyncadd.s32 @p0 $0xFFFFC000  }
0x37: {  	[spmem:s15] =	stream.linear.scatter @p0 [tilespmem:s29], [sflag:$0x2], $0x800, $0x38;
	[tilespmem:$0x17A00] =	vst v63  }
0x38: {  	_ =	swait.ge @p0 [sflag:s30], $0x800  }
0x39: {  	[sflag:s30] =	ssyncset.done @p0 $0x0  }
0x3a: {  	s29 =	simm.s32 @!p0 $0x13A00;
	[sflag:s30] =	ssyncadd.s32 @p0 $0xFFFFF800;
	s30 =	simm.s32 @!p0 $0x2  }
0x3b: {  	[spmem:s5] =	stream.linear.scatter @!p0 [tilespmem:s29], [sflag:$0x2], $0x4000, $0x38;
	[tilespmem:$0x17A00] =	vst v63  }
0x3c: {  	_ =	swait.ge @!p0 [sflag:s30], $0x4000  }
0x3d: {  	[sflag:s30] =	ssyncset.done @!p0 $0x0  }
0x3e: {  	[sflag:s30] =	ssyncadd.s32 @!p0 $0xFFFFC000  }
0x3f: {  	[spmem:s6] =	stream.linear.scatter @!p0 [tilespmem:s29], [sflag:$0x2], $0x4000, $0x38;
	[tilespmem:$0x17A00] =	vst v63  }
0x40: {  	_ =	swait.ge @!p0 [sflag:s30], $0x4000  }
0x41: {  	[sflag:s30] =	ssyncset.done @!p0 $0x0  }
0x42: {  	[sflag:s30] =	ssyncadd.s32 @!p0 $0xFFFFC000  }
0x43: {  	[spmem:s7] =	stream.linear.scatter @!p0 [tilespmem:s29], [sflag:$0x2], $0x4000, $0x38;
	[tilespmem:$0x17A00] =	vst v63  }
0x44: {  	_ =	swait.ge @!p0 [sflag:s30], $0x4000  }
0x45: {  	[sflag:s30] =	ssyncset.done @!p0 $0x0  }
0x46: {  	[sflag:s30] =	ssyncadd.s32 @!p0 $0xFFFFC000  }
0x47: {  	[spmem:s8] =	stream.linear.scatter @!p0 [tilespmem:s29], [sflag:$0x2], $0x4000, $0x38;
	[tilespmem:$0x17A00] =	vst v63  }
0x48: {  	_ =	swait.ge @!p0 [sflag:s30], $0x4000  }
0x49: {  	[sflag:s30] =	ssyncset.done @!p0 $0x0  }
0x4a: {  	[sflag:s30] =	ssyncadd.s32 @!p0 $0xFFFFC000  }
0x4b: {  	[spmem:s10] =	stream.linear.scatter @!p0 [tilespmem:s29], [sflag:$0x2], $0x3800, $0x38;
	[tilespmem:$0x17A00] =	vst v63  }
0x4c: {  	_ =	swait.ge @!p0 [sflag:s30], $0x3800  }
0x4d: {  	[sflag:s30] =	ssyncset.done @!p0 $0x0  }
0x4e: {  	[sflag:s30] =	ssyncadd.s32 @!p0 $0xFFFFC800  }
0x4f: {  	s29 =	sadd.s32 $0x0, s20;
	[bflag:$0x0] =	sbarrier.arrive $0xFFFF  }
0x50: {  	[tilespmem:s21], [sflag:$0x2] =	stream.linear.gather [hbm4b:s29+s3], $0x80, $0x38;
	[tilespmem:$0x17A00] =	vst v63  }
0x51: {  	_ =	swait.ge [sflag:s22], $0x80  }
0x52: {  	[sflag:s22] =	ssyncset.done $0x0  }
0x53: {  	[sflag:s22] =	ssyncadd.s32 $0xFFFFFF80  }
0x54: {  	[tilespmem:s24], [sflag:$0x1] =	stream.indirect.gather [hbm4b:s4+s23], $0x80, s21, s23, $0xb8;
	[tilespmem:$0x17A00] =	vst v63  }
0x55: {  	_ =	swait.ge [sflag:s25], $0x4000  }
0x56: {  	[sflag:s25] =	ssyncset.done $0x0  }
0x57: {  	s29 =	sadd.s32 $0x0, s19;
	[sflag:s25] =	ssyncadd.s32 $0xFFFFC000  }
0x58: {  	[tilespmem:s26], [sflag:$0x2] =	stream.linear.gather [hbm4b:s29+s3], $0x80, $0x38;
	[tilespmem:$0x17A00] =	vst v63  }
0x59: {  	_ =	swait.ge [sflag:s22], $0x80  }
0x5a: {  	[sflag:s22] =	ssyncset.done $0x0  }
0x5b: {  	[sflag:s22] =	ssyncadd.s32 $0xFFFFFF80  }
0x5c: {  	[spmem:s2] =	stream.indirect.scatter.add.f32 [tilespmem:s24], [sflag:$0x2], $0x80, s26, s23, $0xb8;
	[tilespmem:$0x17A00] =	vst v63  }
0x5d: {  	_ =	swait.ge [sflag:s22], $0x4000  }
0x5e: {  	s30 =	simm.s32 $0x20;
	s29 =	simm.s32 $0x10;
	[sflag:s22] =	ssyncset.done $0x0  }
.LBB2_4:
0x5f: {  	s31 =	sadd.s32 s29, s20  }
0x60: {  	[sflag:s22] =	ssyncadd.s32 $0xFFFFC000;
	s0 =	smov.u32 s30;
	s1 =	sadd.s32 $0x10, s30  }
0x61: {  	[tilespmem:s21], [sflag:$0x2] =	stream.linear.gather [hbm4b:s31+s3], $0x80, $0x38;
	[tilespmem:$0x17A00] =	vst v63  }
0x62: {  	p1 =	sne.s32 s30, $0x4F0;
	_ =	swait.ge [sflag:s22], $0x80  }
0x63: {  	[sflag:s22] =	ssyncset.done $0x0  }
0x64: {  	[sflag:s22] =	ssyncadd.s32 $0xFFFFFF80  }
0x65: {  	[tilespmem:s24], [sflag:$0x1] =	stream.indirect.gather [hbm4b:s4+s23], $0x80, s21, s23, $0xb8;
	[tilespmem:$0x17A00] =	vst v63  }
0x66: {  	_ =	swait.ge [sflag:s25], $0x4000  }
0x67: {  	[sflag:s25] =	ssyncset.done $0x0  }
0x68: {  	s30 =	sadd.s32 s29, s19;
	s29 =	smov.u32 s0;
	[sflag:s25] =	ssyncadd.s32 $0xFFFFC000  }
0x69: {  	[tilespmem:s26], [sflag:$0x2] =	stream.linear.gather [hbm4b:s30+s3], $0x80, $0x38;
	[tilespmem:$0x17A00] =	vst v63  }
0x6a: {  	_ =	swait.ge [sflag:s22], $0x80  }
.Ltmp1:
0x6b: {  	[sflag:s22] =	ssyncset.done $0x0;
	(pc) =	sbr.rel @p1 .LBB2_4-.Ltmp1, $4  }
0x6c: {  	[sflag:s22] =	ssyncadd.s32 $0xFFFFFF80  }
0x6d: {  	[spmem:s2] =	stream.indirect.scatter.add.f32 [tilespmem:s24], [sflag:$0x2], $0x80, s26, s23, $0xb8;
	[tilespmem:$0x17A00] =	vst v63  }
0x6e: {  	_ =	swait.ge [sflag:s22], $0x4000  }
0x6f: {  	s30 =	smov.u32 s1;
	[sflag:s22] =	ssyncset.done $0x0  }
0x70: {  	s0 =	sadd.s32 s29, s20;
	[sflag:s22] =	ssyncadd.s32 $0xFFFFC000  }
0x71: {  	[tilespmem:s21], [sflag:$0x2] =	stream.linear.gather [hbm4b:s0+s3], $0x80, $0x38;
	[tilespmem:$0x17A00] =	vst v63  }
0x72: {  	_ =	swait.ge [sflag:s22], $0x80  }
0x73: {  	[sflag:s22] =	ssyncset.done $0x0  }
0x74: {  	[sflag:s22] =	ssyncadd.s32 $0xFFFFFF80  }
0x75: {  	[tilespmem:s24], [sflag:$0x1] =	stream.indirect.gather [hbm4b:s4+s23], $0x80, s21, s23, $0xb8;
	[tilespmem:$0x17A00] =	vst v63  }
0x76: {  	_ =	swait.ge [sflag:s25], $0x4000  }
0x77: {  	[sflag:s25] =	ssyncset.done $0x0  }
0x78: {  	s31 =	sadd.s32 s29, s19;
	[sflag:s25] =	ssyncadd.s32 $0xFFFFC000  }
0x79: {  	[tilespmem:s26], [sflag:$0x2] =	stream.linear.gather [hbm4b:s31+s3], $0x80, $0x38;
	[tilespmem:$0x17A00] =	vst v63  }
0x7a: {  	_ =	swait.ge [sflag:s22], $0x80  }
0x7b: {  	[sflag:s22] =	ssyncset.done $0x0  }
0x7c: {  	[sflag:s22] =	ssyncadd.s32 $0xFFFFFF80  }
0x7d: {  	[spmem:s2] =	stream.indirect.scatter.add.f32 [tilespmem:s24], [sflag:$0x2], $0x80, s26, s23, $0xb8;
	[tilespmem:$0x17A00] =	vst v63  }
0x7e: {  	_ =	swait.ge [sflag:s22], $0x4000  }
0x7f: {  	[sflag:s22] =	ssyncset.done $0x0  }
0x80: {  	[sflag:s22] =	ssyncadd.s32 $0xFFFFC000  }
0x81: {  	s1 =	simm.s32 @p0 $0x1FC2;
	s0 =	sshrl.u32 @p0 s9, $0x3;
	[bflag:$0x0] =	sbarrier.arrive $0xFFFF  }
0x82: {  	[hbm:s17], [sflag:s1] =	dma.local @p0 [spmem:s0], $0x2800  }
0x83: {  	s0 =	simm.s32 @p0 $0x2  }
0x84: {  	s28 =	sadd.s32 $0x1, s28;
	s1 =	stileid.u32;
	_ =	swait.ge @p0 [sflag:s0], $0x2800  }
0x85: {  	p1 =	sne.s32 s28, s18;
	s1 =	sshll.u32 @!p0 s1, $0x6;
	[sflag:s0] =	ssyncset.done @p0 $0x0  }
0x86: {  	[sflag:s0] =	ssyncadd.s32 @p0 $0xFFFFD800;
	s0 =	sor.u32 @!p0 $0x1C02, s1;
	s1 =	sshrl.u32 @!p0 s5, $0x3  }
0x87: {  	[hbm:s16], [sflag:s0] =	dma.local @!p0 [spmem:s1], $0x2700  }
.Ltmp2:
0x88: {  	_ = 	snop;
	(pc) =	sbr.rel @p1 .LBB2_1-.Ltmp2, $4  }
0x89: {  	s0 =	simm.s32 @!p0 $0x2  }
0x8a: {  	_ =	swait.ge @!p0 [sflag:s0], $0x2700  }
0x8b: {  	[sflag:s0] =	ssyncset.done @!p0 $0x0  }
0x8c: {  	[sflag:s0] =	ssyncadd.s32 @!p0 $0xFFFFD900  }
0x8d: {  	_ =	sfence.sel $0x180000  }
0x8e: {  	[bflag:$0x0] =	sbarrier.arrive $0xFFFF  }
0x8f: {  	_ =	strace $0x9000004A  }
0x90: {  	s0 =	stileid.u32;
	[bflag:$0x2] =	sbarrier.arrive $0xFFFF  }
0x91: {  	p0 =	sne.s32 s0, $0x0;
	s0 =	rddreg [dreg:$0x2]  }
0x92: {  	s0 =	sadd.s32 @!p0 $0x100000, s0  }
0x93: {  	[sflag:s0] =	ssyncadd.tile.s32 @!p0 $0x1;
	_ =	shalt  }
.Lfunc_end2:
_tile_overlayer_lowered:
.L_overlay_start_2:
0x94: {  	(tag) =	ssettag $0x2  }
0x95: {  	s0 =	rddreg [dreg:$0x0];
	s2 =	stileid.u32  }
0x96: {  	s1 =	rddreg [dreg:$0x1];
	p0 =	sne.s32 s2, $0x0  }
0x97: {  	s3 =	rddreg [dreg:$0x2];
	[bflag:$0x3] =	sbarrier.arrive $0xFFFF;
	s2 =	simm.s32 @!p0 $0x1C02  }
0x98: {  	[timem:s3], [sflag:s2] =	dma.local @!p0 [hbm:s0], s1  }
0x99: {  	s0 =	simm.s32 @!p0 $0x2  }
0x9a: {  	_ =	swait.ge @!p0 [sflag:s0], s1  }
0x9b: {  	s1 =	ssub.s32 @!p0 $0x0, s1;
	[sflag:s0] =	ssyncset.done @!p0 $0x0  }
0x9c: {  	[sflag:s0] =	ssyncadd.s32 @!p0 s1  }
0x9d: {  	[bflag:$0x3] =	sbarrier.arrive $0xFFFF  }
0x9e: {  	_ =	shalt  }

</sc_bundles>
